<compile_context>
chip_gen: v7x
topology: tpu7x:2x2x1
jax: 0.10.2.dev20260603
libtpu: 0.0.44.dev20260713+nightly
codegen_flags: <defaults>
</compile_context>

<pallas_src>
import functools

import jax
import jax.numpy as jnp
from jax import lax
from jax.experimental import pallas as pl
from jax.experimental.pallas import tpu as pltpu
from jax.experimental.pallas import tpu_sc as plsc

D_MODEL = 1024
D_VOCAB = 100000
BATCH = 4
SEQ = 2048
N_TOK = BATCH * SEQ

NC = 2
NS = 16
NW = NC * NS
TOK_PER_W = N_TOK // NW
CHUNK = 16
NCHUNK = TOK_PER_W // CHUNK
NBUF = 7


def _sc_row_gather(W_T, x):
    mesh = plsc.VectorSubcoreMesh(core_axis_name="c", subcore_axis_name="s")

    @functools.partial(
        pl.kernel,
        out_type=jax.ShapeDtypeStruct((N_TOK, D_MODEL), jnp.float32),
        mesh=mesh,
        compiler_params=pltpu.CompilerParams(
            needs_layout_passes=False, use_tc_tiling_on_sc=True
        ),
        scratch_types=[
            pltpu.VMEM((TOK_PER_W,), jnp.int32),
            pltpu.VMEM((NBUF, CHUNK, D_MODEL), jnp.float32),
            pltpu.SemaphoreType.DMA((NBUF,)),
            pltpu.SemaphoreType.DMA((NBUF,)),
        ],
    )
    def k(wt_hbm, x_hbm, out_hbm, idx_v, bufs, gsems, wsems):
        wid = lax.axis_index("s") * NC + lax.axis_index("c")
        base = wid * TOK_PER_W
        b = wid // (SEQ // TOK_PER_W)
        p0 = (wid % (SEQ // TOK_PER_W)) * TOK_PER_W
        pltpu.sync_copy(x_hbm.at[b, pl.ds(p0, TOK_PER_W)], idx_v)

        def start_gather(ch):
            off = pl.multiple_of(ch * CHUNK, CHUNK)
            pltpu.async_copy(
                wt_hbm.at[idx_v.at[pl.ds(off, CHUNK)]],
                bufs.at[ch % NBUF],
                gsems.at[ch % NBUF],
            )

        def wait_gather(ch):
            pltpu.make_async_copy(
                wt_hbm.at[idx_v.at[pl.ds(0, CHUNK)]],
                bufs.at[ch % NBUF],
                gsems.at[ch % NBUF],
            ).wait()

        def start_scatter(ch):
            off = pl.multiple_of(base + ch * CHUNK, CHUNK)
            pltpu.async_copy(
                bufs.at[ch % NBUF],
                out_hbm.at[pl.ds(off, CHUNK)],
                wsems.at[ch % NBUF],
            )

        def wait_scatter(ch):
            pltpu.make_async_copy(
                bufs.at[ch % NBUF],
                out_hbm.at[pl.ds(base, CHUNK)],
                wsems.at[ch % NBUF],
            ).wait()

        def prime(ch, carry):
            start_gather(ch)
            return carry

        lax.fori_loop(0, NBUF - 1, prime, 0)

        def body(ch, carry):
            nxt = ch + NBUF - 1

            @pl.when(nxt < NCHUNK)
            def _():
                @pl.when(ch >= 1)
                def _():
                    wait_scatter(ch - 1)

                start_gather(nxt)

            wait_gather(ch)
            start_scatter(ch)
            return carry

        lax.fori_loop(0, NCHUNK, body, 0)

        def drain(ch, carry):
            wait_scatter(ch)
            return carry

        lax.fori_loop(NCHUNK - NBUF, NCHUNK, drain, 0)

    return k(W_T, x)


@jax.jit
def kernel(x, W_E):
    out = _sc_row_gather(W_E.T, x.astype(jnp.int32))
    return out.reshape(BATCH, SEQ, D_MODEL)

# --- scband reference (transcript-rebuilt; emitter-appended) ---
"""Pipeline reference for scband-embed-20976620274004 (READ-ONLY COPY).

The authoritative reference and input builder live on the scoring server;
editing this copy changes nothing except your own understanding.
"""

import jax, jax.numpy as jnp
import numpy as np

D_VOCAB = 100000
D_MODEL = 1024
BATCH = 4
SEQ = 2048

def setup_inputs(seed: int = 0) -> dict:
    key = jax.random.key(seed)
    k1, k2 = jax.random.split(key)
    x = jax.random.randint(k1, (BATCH, SEQ), 0, D_VOCAB, dtype=jnp.int64 if jax.config.jax_enable_x64 else jnp.int32)
    W_E = jax.random.normal(k2, (D_MODEL, D_VOCAB), dtype=jnp.float32) / np.sqrt(D_MODEL)
    return {"x": x, "W_E": W_E}

def reference(x, W_E):
    # torch: einsum('dbp -> bpd', W_E[:, x])
    gathered = jnp.take(W_E, x, axis=1)  # [d_model, batch, pos]
    return jnp.transpose(gathered, (1, 2, 0))  # [batch, pos, d_model]

if __name__ == "__main__":
    import jax
    _d = setup_inputs()
    print(jax.jit(kernel)(*tuple(_d.values())))

</pallas_src>

<mosaic_0001>
#map = affine_map<(d0, d1) -> (0, 0)>
module attributes {stable_mosaic.version = 14 : i64} {
  func.func @k(%arg0: i32, %arg1: i32, %arg2: memref<100000x1024xf32, #tpu.memory_space<hbm>>, %arg3: memref<4x2048xi32, #tpu.memory_space<hbm>>, %arg4: memref<8192x1024xf32, #tpu.memory_space<hbm>>, %arg5: memref<256xi32, #tpu.memory_space<vmem>>, %arg6: memref<7x16x1024xf32, #tpu.memory_space<vmem>>, %arg7: memref<7x!tpu.dma_semaphore, #tpu.memory_space<semaphore_mem>>, %arg8: memref<7x!tpu.dma_semaphore, #tpu.memory_space<semaphore_mem>>) attributes {dimension_semantics = [#tpu.dimension_semantics<core_parallel>, #tpu.dimension_semantics<subcore_parallel>], iteration_bounds = array<i64: 2, 16>, scalar_prefetch = 0 : i64, scratch_operands = 4 : i64, tpu.core_type = #tpu.core_type<sc_vector_subcore>, window_params = [{transform_indices = #map}, {transform_indices = #map}, {transform_indices = #map}]} {
    %mul3A = arith.constant 2 : i32
    %mul3A_0 = arith.muli %arg1, %mul3A : i32
    %add3A = arith.addi %mul3A_0, %arg0 : i32
    %mul3A_1 = arith.constant 256 : i32
    %mul3A_2 = arith.muli %add3A, %mul3A_1 : i32
    %jit3A = arith.constant 8 : i32
    %div3A = arith.divsi %add3A, %jit3A : i32
    %sign3A = arith.constant 0 : i32
    %sign3A_3 = arith.cmpi sgt, %add3A, %sign3A : i32
    %sign3A_4 = arith.extui %sign3A_3 : i1 to i32
    %sign3A_5 = arith.constant 0 : i32
    %sign3A_6 = arith.cmpi slt, %add3A, %sign3A_5 : i32
    %sign3A_7 = arith.extui %sign3A_6 : i1 to i32
    %sign3A_8 = arith.subi %sign3A_4, %sign3A_7 : i32
    %sign3A_9 = arith.constant 0 : i32
    %sign3A_10 = arith.cmpi sgt, %jit3A, %sign3A_9 : i32
    %sign3A_11 = arith.extui %sign3A_10 : i1 to i32
    %sign3A_12 = arith.constant 0 : i32
    %sign3A_13 = arith.cmpi slt, %jit3A, %sign3A_12 : i32
    %sign3A_14 = arith.extui %sign3A_13 : i1 to i32
    %sign3A_15 = arith.subi %sign3A_11, %sign3A_14 : i32
    %ne3A = arith.cmpi ne, %sign3A_8, %sign3A_15 : i32
    %rem3A = arith.remsi %add3A, %jit3A : i32
    %ne3A_16 = arith.constant 0 : i32
    %ne3A_17 = arith.cmpi ne, %rem3A, %ne3A_16 : i32
    %and3A = arith.andi %ne3A, %ne3A_17 : i1
    %sub3A = arith.constant 1 : i32
    %sub3A_18 = arith.subi %div3A, %sub3A : i32
    %select_n3A = arith.select %and3A, %sub3A_18, %div3A : i32
    %jit3A_19 = arith.constant 8 : i32
    %eq3A = arith.constant 0 : i32
    %eq3A_20 = arith.cmpi eq, %jit3A_19, %eq3A : i32
    %jit3A_21 = arith.constant 1 : i32
    %select_n3A_22 = arith.select %eq3A_20, %jit3A_21, %jit3A_19 : i32
    %rem3A_23 = arith.remsi %add3A, %select_n3A_22 : i32
    %ne3A_24 = arith.constant 0 : i32
    %ne3A_25 = arith.cmpi ne, %rem3A_23, %ne3A_24 : i32
    %lt3A = arith.constant 0 : i32
    %lt3A_26 = arith.cmpi slt, %rem3A_23, %lt3A : i32
    %lt3A_27 = arith.constant 0 : i32
    %lt3A_28 = arith.cmpi slt, %select_n3A_22, %lt3A_27 : i32
    %ne3A_29 = arith.xori %lt3A_26, %lt3A_28 : i1
    %and3A_30 = arith.andi %ne3A_29, %ne3A_25 : i1
    %add3A_31 = arith.addi %rem3A_23, %select_n3A_22 : i32
    %select_n3A_32 = arith.select %and3A_30, %add3A_31, %rem3A_23 : i32
    %mul3A_33 = arith.constant 256 : i32
    %mul3A_34 = arith.muli %select_n3A_32, %mul3A_33 : i32
    "tpu.region"() ({
      %run_scoped3A = tpu.sem_alloc : memref<!tpu.dma_semaphore, #tpu.memory_space<semaphore_mem>>
      %dma_start3A = tpu.memref_slice %arg3[%select_n3A, %mul3A_34] : memref<4x2048xi32, #tpu.memory_space<hbm>> -> memref<1x256xi32, #tpu.memory_space<hbm>>
      %dma_start3A_52 = tpu.memref_squeeze %dma_start3A : memref<1x256xi32, #tpu.memory_space<hbm>> -> memref<256xi32, #tpu.memory_space<hbm>>
      %dma_start3A_53 = tpu.memref_slice %arg3[%select_n3A, %mul3A_34] : memref<4x2048xi32, #tpu.memory_space<hbm>> -> memref<1x256xi32, #tpu.memory_space<hbm>>
      %dma_start3A_54 = tpu.memref_squeeze %dma_start3A_53 : memref<1x256xi32, #tpu.memory_space<hbm>> -> memref<256xi32, #tpu.memory_space<hbm>>
      tpu.enqueue_dma source(%dma_start3A_54 : memref<256xi32, #tpu.memory_space<hbm>>) target(%arg5 : memref<256xi32, #tpu.memory_space<vmem>>) target_semaphore(%run_scoped3A : memref<!tpu.dma_semaphore, #tpu.memory_space<semaphore_mem>>)
      %dma_wait3A = tpu.memref_slice %arg3[%select_n3A, %mul3A_34] : memref<4x2048xi32, #tpu.memory_space<hbm>> -> memref<1x256xi32, #tpu.memory_space<hbm>>
      %dma_wait3A_55 = tpu.memref_squeeze %dma_wait3A : memref<1x256xi32, #tpu.memory_space<hbm>> -> memref<256xi32, #tpu.memory_space<hbm>>
      %dma_wait3A_56 = tpu.memref_slice %arg3[%select_n3A, %mul3A_34] : memref<4x2048xi32, #tpu.memory_space<hbm>> -> memref<1x256xi32, #tpu.memory_space<hbm>>
      %dma_wait3A_57 = tpu.memref_squeeze %dma_wait3A_56 : memref<1x256xi32, #tpu.memory_space<hbm>> -> memref<256xi32, #tpu.memory_space<hbm>>
      tpu.wait_dma2 semaphore(%run_scoped3A : memref<!tpu.dma_semaphore, #tpu.memory_space<semaphore_mem>>) src(%dma_wait3A_57 : memref<256xi32, #tpu.memory_space<hbm>>) dst(%arg5 : memref<256xi32, #tpu.memory_space<vmem>>)
      tpu.yield
    }) : () -> ()
    %scan3A = arith.constant 0 : i32
    %scan3A_35 = arith.constant 0 : i32
    %scan3A_36 = arith.constant 6 : i32
    %scan3A_37 = arith.addi %scan3A_35, %scan3A_36 : i32
    %scan3A_38 = arith.constant 1 : i32
    scf.for %scan3A_52 = %scan3A_35 to %scan3A_37 step %scan3A_38  : i32 {
      %mul3A_53 = arith.constant 16 : i32
      %mul3A_54 = arith.muli %scan3A_52, %mul3A_53 : i32
      %multiple_of3A = tpu.assume_multiple %mul3A_54, 16 : i32
      %jit3A_55 = arith.constant 7 : i32
      %eq3A_56 = arith.constant 0 : i32
      %eq3A_57 = arith.cmpi eq, %jit3A_55, %eq3A_56 : i32
      %jit3A_58 = arith.constant 1 : i32
      %select_n3A_59 = arith.select %eq3A_57, %jit3A_58, %jit3A_55 : i32
      %rem3A_60 = arith.remsi %scan3A_52, %select_n3A_59 : i32
      %ne3A_61 = arith.constant 0 : i32
      %ne3A_62 = arith.cmpi ne, %rem3A_60, %ne3A_61 : i32
      %lt3A_63 = arith.constant 0 : i32
      %lt3A_64 = arith.cmpi slt, %rem3A_60, %lt3A_63 : i32
      %lt3A_65 = arith.constant 0 : i32
      %lt3A_66 = arith.cmpi slt, %select_n3A_59, %lt3A_65 : i32
      %ne3A_67 = arith.xori %lt3A_64, %lt3A_66 : i1
      %and3A_68 = arith.andi %ne3A_67, %ne3A_62 : i1
      %add3A_69 = arith.addi %rem3A_60, %select_n3A_59 : i32
      %select_n3A_70 = arith.select %and3A_68, %add3A_69, %rem3A_60 : i32
      %jit3A_71 = arith.constant 7 : i32
      %eq3A_72 = arith.constant 0 : i32
      %eq3A_73 = arith.cmpi eq, %jit3A_71, %eq3A_72 : i32
      %jit3A_74 = arith.constant 1 : i32
      %select_n3A_75 = arith.select %eq3A_73, %jit3A_74, %jit3A_71 : i32
      %rem3A_76 = arith.remsi %scan3A_52, %select_n3A_75 : i32
      %ne3A_77 = arith.constant 0 : i32
      %ne3A_78 = arith.cmpi ne, %rem3A_76, %ne3A_77 : i32
      %lt3A_79 = arith.constant 0 : i32
      %lt3A_80 = arith.cmpi slt, %rem3A_76, %lt3A_79 : i32
      %lt3A_81 = arith.constant 0 : i32
      %lt3A_82 = arith.cmpi slt, %select_n3A_75, %lt3A_81 : i32
      %ne3A_83 = arith.xori %lt3A_80, %lt3A_82 : i1
      %and3A_84 = arith.andi %ne3A_83, %ne3A_78 : i1
      %add3A_85 = arith.addi %rem3A_76, %select_n3A_75 : i32
      %select_n3A_86 = arith.select %and3A_84, %add3A_85, %rem3A_76 : i32
      %dma_start3A = arith.constant 0 : i32
      %dma_start3A_87 = arith.constant 0 : i32
      %dma_start3A_88 = tpu.memref_slice %arg6[%select_n3A_70, %dma_start3A, %dma_start3A_87] : memref<7x16x1024xf32, #tpu.memory_space<vmem>> -> memref<1x16x1024xf32, #tpu.memory_space<vmem>>
      %dma_start3A_89 = tpu.memref_squeeze %dma_start3A_88 : memref<1x16x1024xf32, #tpu.memory_space<vmem>> -> memref<16x1024xf32, #tpu.memory_space<vmem>>
      %dma_start3A_90 = tpu.memref_slice %arg5[%multiple_of3A] : memref<256xi32, #tpu.memory_space<vmem>> -> memref<16xi32, #tpu.memory_space<vmem>>
      %dma_start3A_91 = arith.constant 0 : i32
      %dma_start3A_92 = arith.constant 0 : i32
      %dma_start3A_93 = tpu.memref_slice %arg2[%dma_start3A_91, %dma_start3A_92] : memref<100000x1024xf32, #tpu.memory_space<hbm>> -> memref<100000x1024xf32, #tpu.memory_space<hbm>>
      %dma_start3A_94 = tpu.memref_slice %arg7[%select_n3A_86] : memref<7x!tpu.dma_semaphore, #tpu.memory_space<semaphore_mem>> -> memref<1x!tpu.dma_semaphore, #tpu.memory_space<semaphore_mem>>
      %dma_start3A_95 = tpu.memref_squeeze %dma_start3A_94 : memref<1x!tpu.dma_semaphore, #tpu.memory_space<semaphore_mem>> -> memref<!tpu.dma_semaphore, #tpu.memory_space<semaphore_mem>>
      tpu.enqueue_indirect_dma source(%dma_start3A_93 : memref<100000x1024xf32, #tpu.memory_space<hbm>>) target(%dma_start3A_89 : memref<16x1024xf32, #tpu.memory_space<vmem>>) offsets(%dma_start3A_90 : memref<16xi32, #tpu.memory_space<vmem>>) semaphore(%dma_start3A_95 : memref<!tpu.dma_semaphore, #tpu.memory_space<semaphore_mem>>)
    }
    %scan3A_39 = arith.constant 6 : i32
    %scan3A_40 = arith.constant 0 : i32
    %scan3A_41 = arith.constant 0 : i32
    %scan3A_42 = arith.constant 16 : i32
    %scan3A_43 = arith.addi %scan3A_41, %scan3A_42 : i32
    %scan3A_44 = arith.constant 1 : i32
    scf.for %scan3A_52 = %scan3A_41 to %scan3A_43 step %scan3A_44  : i32 {
      %add3A_53 = arith.constant 7 : i32
      %add3A_54 = arith.addi %scan3A_52, %add3A_53 : i32
      %sub3A_55 = arith.constant 1 : i32
      %sub3A_56 = arith.subi %add3A_54, %sub3A_55 : i32
      %lt3A_57 = arith.constant 16 : i32
      %lt3A_58 = arith.cmpi slt, %sub3A_56, %lt3A_57 : i32
      %convert_element_type3A = arith.extui %lt3A_58 : i1 to i32
      %cond3A = arith.constant 0 : i32
      %cond3A_59 = arith.cmpi ne, %convert_element_type3A, %cond3A : i32
      scf.if %cond3A_59 {
        %ge3A = arith.constant 1 : i32
        %ge3A_150 = arith.cmpi sge, %scan3A_52, %ge3A : i32
        %convert_element_type3A_151 = arith.extui %ge3A_150 : i1 to i32
        %cond3A_152 = arith.constant 0 : i32
        %cond3A_153 = arith.cmpi ne, %convert_element_type3A_151, %cond3A_152 : i32
        scf.if %cond3A_153 {
          %sub3A_199 = arith.constant 1 : i32
          %sub3A_200 = arith.subi %scan3A_52, %sub3A_199 : i32
          %jit3A_201 = arith.constant 7 : i32
          %eq3A_202 = arith.constant 0 : i32
          %eq3A_203 = arith.cmpi eq, %jit3A_201, %eq3A_202 : i32
          %jit3A_204 = arith.constant 1 : i32
          %select_n3A_205 = arith.select %eq3A_203, %jit3A_204, %jit3A_201 : i32
          %rem3A_206 = arith.remsi %sub3A_200, %select_n3A_205 : i32
          %ne3A_207 = arith.constant 0 : i32
          %ne3A_208 = arith.cmpi ne, %rem3A_206, %ne3A_207 : i32
          %lt3A_209 = arith.constant 0 : i32
          %lt3A_210 = arith.cmpi slt, %rem3A_206, %lt3A_209 : i32
          %lt3A_211 = arith.constant 0 : i32
          %lt3A_212 = arith.cmpi slt, %select_n3A_205, %lt3A_211 : i32
          %ne3A_213 = arith.xori %lt3A_210, %lt3A_212 : i1
          %and3A_214 = arith.andi %ne3A_213, %ne3A_208 : i1
          %add3A_215 = arith.addi %rem3A_206, %select_n3A_205 : i32
          %select_n3A_216 = arith.select %and3A_214, %add3A_215, %rem3A_206 : i32
          %jit3A_217 = arith.constant 7 : i32
          %eq3A_218 = arith.constant 0 : i32
          %eq3A_219 = arith.cmpi eq, %jit3A_217, %eq3A_218 : i32
          %jit3A_220 = arith.constant 1 : i32
          %select_n3A_221 = arith.select %eq3A_219, %jit3A_220, %jit3A_217 : i32
          %rem3A_222 = arith.remsi %sub3A_200, %select_n3A_221 : i32
          %ne3A_223 = arith.constant 0 : i32
          %ne3A_224 = arith.cmpi ne, %rem3A_222, %ne3A_223 : i32
          %lt3A_225 = arith.constant 0 : i32
          %lt3A_226 = arith.cmpi slt, %rem3A_222, %lt3A_225 : i32
          %lt3A_227 = arith.constant 0 : i32
          %lt3A_228 = arith.cmpi slt, %select_n3A_221, %lt3A_227 : i32
          %ne3A_229 = arith.xori %lt3A_226, %lt3A_228 : i1
          %and3A_230 = arith.andi %ne3A_229, %ne3A_224 : i1
          %add3A_231 = arith.addi %rem3A_222, %select_n3A_221 : i32
          %select_n3A_232 = arith.select %and3A_230, %add3A_231, %rem3A_222 : i32
          %dma_wait3A_233 = arith.constant 0 : i32
          %dma_wait3A_234 = arith.constant 0 : i32
          %dma_wait3A_235 = tpu.memref_slice %arg6[%select_n3A_216, %dma_wait3A_233, %dma_wait3A_234] : memref<7x16x1024xf32, #tpu.memory_space<vmem>> -> memref<1x16x1024xf32, #tpu.memory_space<vmem>>
          %dma_wait3A_236 = tpu.memref_squeeze %dma_wait3A_235 : memref<1x16x1024xf32, #tpu.memory_space<vmem>> -> memref<16x1024xf32, #tpu.memory_space<vmem>>
          %dma_wait3A_237 = arith.constant 0 : i32
          %dma_wait3A_238 = tpu.memref_slice %arg4[%mul3A_2, %dma_wait3A_237] : memref<8192x1024xf32, #tpu.memory_space<hbm>> -> memref<16x1024xf32, #tpu.memory_space<hbm>>
          %dma_wait3A_239 = tpu.memref_slice %arg8[%select_n3A_232] : memref<7x!tpu.dma_semaphore, #tpu.memory_space<semaphore_mem>> -> memref<1x!tpu.dma_semaphore, #tpu.memory_space<semaphore_mem>>
          %dma_wait3A_240 = tpu.memref_squeeze %dma_wait3A_239 : memref<1x!tpu.dma_semaphore, #tpu.memory_space<semaphore_mem>> -> memref<!tpu.dma_semaphore, #tpu.memory_space<semaphore_mem>>
          %dma_wait3A_241 = arith.constant 0 : i32
          %dma_wait3A_242 = tpu.memref_slice %arg4[%mul3A_2, %dma_wait3A_241] : memref<8192x1024xf32, #tpu.memory_space<hbm>> -> memref<16x1024xf32, #tpu.memory_space<hbm>>
          %dma_wait3A_243 = arith.constant 0 : i32
          %dma_wait3A_244 = arith.constant 0 : i32
          %dma_wait3A_245 = tpu.memref_slice %arg6[%select_n3A_216, %dma_wait3A_243, %dma_wait3A_244] : memref<7x16x1024xf32, #tpu.memory_space<vmem>> -> memref<1x16x1024xf32, #tpu.memory_space<vmem>>
          %dma_wait3A_246 = tpu.memref_squeeze %dma_wait3A_245 : memref<1x16x1024xf32, #tpu.memory_space<vmem>> -> memref<16x1024xf32, #tpu.memory_space<vmem>>
          tpu.wait_dma2 semaphore(%dma_wait3A_240 : memref<!tpu.dma_semaphore, #tpu.memory_space<semaphore_mem>>) src(%dma_wait3A_246 : memref<16x1024xf32, #tpu.memory_space<vmem>>) dst(%dma_wait3A_242 : memref<16x1024xf32, #tpu.memory_space<hbm>>)
        } else {
        }
        %mul3A_154 = arith.constant 16 : i32
        %mul3A_155 = arith.muli %sub3A_56, %mul3A_154 : i32
        %multiple_of3A_156 = tpu.assume_multiple %mul3A_155, 16 : i32
        %jit3A_157 = arith.constant 7 : i32
        %eq3A_158 = arith.constant 0 : i32
        %eq3A_159 = arith.cmpi eq, %jit3A_157, %eq3A_158 : i32
        %jit3A_160 = arith.constant 1 : i32
        %select_n3A_161 = arith.select %eq3A_159, %jit3A_160, %jit3A_157 : i32
        %rem3A_162 = arith.remsi %sub3A_56, %select_n3A_161 : i32
        %ne3A_163 = arith.constant 0 : i32
        %ne3A_164 = arith.cmpi ne, %rem3A_162, %ne3A_163 : i32
        %lt3A_165 = arith.constant 0 : i32
        %lt3A_166 = arith.cmpi slt, %rem3A_162, %lt3A_165 : i32
        %lt3A_167 = arith.constant 0 : i32
        %lt3A_168 = arith.cmpi slt, %select_n3A_161, %lt3A_167 : i32
        %ne3A_169 = arith.xori %lt3A_166, %lt3A_168 : i1
        %and3A_170 = arith.andi %ne3A_169, %ne3A_164 : i1
        %add3A_171 = arith.addi %rem3A_162, %select_n3A_161 : i32
        %select_n3A_172 = arith.select %and3A_170, %add3A_171, %rem3A_162 : i32
        %jit3A_173 = arith.constant 7 : i32
        %eq3A_174 = arith.constant 0 : i32
        %eq3A_175 = arith.cmpi eq, %jit3A_173, %eq3A_174 : i32
        %jit3A_176 = arith.constant 1 : i32
        %select_n3A_177 = arith.select %eq3A_175, %jit3A_176, %jit3A_173 : i32
        %rem3A_178 = arith.remsi %sub3A_56, %select_n3A_177 : i32
        %ne3A_179 = arith.constant 0 : i32
        %ne3A_180 = arith.cmpi ne, %rem3A_178, %ne3A_179 : i32
        %lt3A_181 = arith.constant 0 : i32
        %lt3A_182 = arith.cmpi slt, %rem3A_178, %lt3A_181 : i32
        %lt3A_183 = arith.constant 0 : i32
        %lt3A_184 = arith.cmpi slt, %select_n3A_177, %lt3A_183 : i32
        %ne3A_185 = arith.xori %lt3A_182, %lt3A_184 : i1
        %and3A_186 = arith.andi %ne3A_185, %ne3A_180 : i1
        %add3A_187 = arith.addi %rem3A_178, %select_n3A_177 : i32
        %select_n3A_188 = arith.select %and3A_186, %add3A_187, %rem3A_178 : i32
        %dma_start3A_189 = arith.constant 0 : i32
        %dma_start3A_190 = arith.constant 0 : i32
        %dma_start3A_191 = tpu.memref_slice %arg6[%select_n3A_172, %dma_start3A_189, %dma_start3A_190] : memref<7x16x1024xf32, #tpu.memory_space<vmem>> -> memref<1x16x1024xf32, #tpu.memory_space<vmem>>
        %dma_start3A_192 = tpu.memref_squeeze %dma_start3A_191 : memref<1x16x1024xf32, #tpu.memory_space<vmem>> -> memref<16x1024xf32, #tpu.memory_space<vmem>>
        %dma_start3A_193 = tpu.memref_slice %arg5[%multiple_of3A_156] : memref<256xi32, #tpu.memory_space<vmem>> -> memref<16xi32, #tpu.memory_space<vmem>>
        %dma_start3A_194 = arith.constant 0 : i32
        %dma_start3A_195 = arith.constant 0 : i32
        %dma_start3A_196 = tpu.memref_slice %arg2[%dma_start3A_194, %dma_start3A_195] : memref<100000x1024xf32, #tpu.memory_space<hbm>> -> memref<100000x1024xf32, #tpu.memory_space<hbm>>
        %dma_start3A_197 = tpu.memref_slice %arg7[%select_n3A_188] : memref<7x!tpu.dma_semaphore, #tpu.memory_space<semaphore_mem>> -> memref<1x!tpu.dma_semaphore, #tpu.memory_space<semaphore_mem>>
        %dma_start3A_198 = tpu.memref_squeeze %dma_start3A_197 : memref<1x!tpu.dma_semaphore, #tpu.memory_space<semaphore_mem>> -> memref<!tpu.dma_semaphore, #tpu.memory_space<semaphore_mem>>
        tpu.enqueue_indirect_dma source(%dma_start3A_196 : memref<100000x1024xf32, #tpu.memory_space<hbm>>) target(%dma_start3A_192 : memref<16x1024xf32, #tpu.memory_space<vmem>>) offsets(%dma_start3A_193 : memref<16xi32, #tpu.memory_space<vmem>>) semaphore(%dma_start3A_198 : memref<!tpu.dma_semaphore, #tpu.memory_space<semaphore_mem>>)
      } else {
      }
      %jit3A_60 = arith.constant 7 : i32
      %eq3A_61 = arith.constant 0 : i32
      %eq3A_62 = arith.cmpi eq, %jit3A_60, %eq3A_61 : i32
      %jit3A_63 = arith.constant 1 : i32
      %select_n3A_64 = arith.select %eq3A_62, %jit3A_63, %jit3A_60 : i32
      %rem3A_65 = arith.remsi %scan3A_52, %select_n3A_64 : i32
      %ne3A_66 = arith.constant 0 : i32
      %ne3A_67 = arith.cmpi ne, %rem3A_65, %ne3A_66 : i32
      %lt3A_68 = arith.constant 0 : i32
      %lt3A_69 = arith.cmpi slt, %rem3A_65, %lt3A_68 : i32
      %lt3A_70 = arith.constant 0 : i32
      %lt3A_71 = arith.cmpi slt, %select_n3A_64, %lt3A_70 : i32
      %ne3A_72 = arith.xori %lt3A_69, %lt3A_71 : i1
      %and3A_73 = arith.andi %ne3A_72, %ne3A_67 : i1
      %add3A_74 = arith.addi %rem3A_65, %select_n3A_64 : i32
      %select_n3A_75 = arith.select %and3A_73, %add3A_74, %rem3A_65 : i32
      %jit3A_76 = arith.constant 7 : i32
      %eq3A_77 = arith.constant 0 : i32
      %eq3A_78 = arith.cmpi eq, %jit3A_76, %eq3A_77 : i32
      %jit3A_79 = arith.constant 1 : i32
      %select_n3A_80 = arith.select %eq3A_78, %jit3A_79, %jit3A_76 : i32
      %rem3A_81 = arith.remsi %scan3A_52, %select_n3A_80 : i32
      %ne3A_82 = arith.constant 0 : i32
      %ne3A_83 = arith.cmpi ne, %rem3A_81, %ne3A_82 : i32
      %lt3A_84 = arith.constant 0 : i32
      %lt3A_85 = arith.cmpi slt, %rem3A_81, %lt3A_84 : i32
      %lt3A_86 = arith.constant 0 : i32
      %lt3A_87 = arith.cmpi slt, %select_n3A_80, %lt3A_86 : i32
      %ne3A_88 = arith.xori %lt3A_85, %lt3A_87 : i1
      %and3A_89 = arith.andi %ne3A_88, %ne3A_83 : i1
      %add3A_90 = arith.addi %rem3A_81, %select_n3A_80 : i32
      %select_n3A_91 = arith.select %and3A_89, %add3A_90, %rem3A_81 : i32
      %dma_wait3A = arith.constant 0 : i32
      %dma_wait3A_92 = arith.constant 0 : i32
      %dma_wait3A_93 = tpu.memref_slice %arg6[%select_n3A_75, %dma_wait3A, %dma_wait3A_92] : memref<7x16x1024xf32, #tpu.memory_space<vmem>> -> memref<1x16x1024xf32, #tpu.memory_space<vmem>>
      %dma_wait3A_94 = tpu.memref_squeeze %dma_wait3A_93 : memref<1x16x1024xf32, #tpu.memory_space<vmem>> -> memref<16x1024xf32, #tpu.memory_space<vmem>>
      %dma_wait3A_95 = arith.constant 0 : i32
      %dma_wait3A_96 = tpu.memref_slice %arg5[%dma_wait3A_95] : memref<256xi32, #tpu.memory_space<vmem>> -> memref<16xi32, #tpu.memory_space<vmem>>
      %dma_wait3A_97 = arith.constant 0 : i32
      %dma_wait3A_98 = arith.constant 0 : i32
      %dma_wait3A_99 = tpu.memref_slice %arg2[%dma_wait3A_97, %dma_wait3A_98] : memref<100000x1024xf32, #tpu.memory_space<hbm>> -> memref<100000x1024xf32, #tpu.memory_space<hbm>>
      %dma_wait3A_100 = tpu.memref_slice %arg7[%select_n3A_91] : memref<7x!tpu.dma_semaphore, #tpu.memory_space<semaphore_mem>> -> memref<1x!tpu.dma_semaphore, #tpu.memory_space<semaphore_mem>>
      %dma_wait3A_101 = tpu.memref_squeeze %dma_wait3A_100 : memref<1x!tpu.dma_semaphore, #tpu.memory_space<semaphore_mem>> -> memref<!tpu.dma_semaphore, #tpu.memory_space<semaphore_mem>>
      tpu.wait_indirect_dma semaphore(%dma_wait3A_101 : memref<!tpu.dma_semaphore, #tpu.memory_space<semaphore_mem>>) src(%dma_wait3A_99 : memref<100000x1024xf32, #tpu.memory_space<hbm>>) dst(%dma_wait3A_94 : memref<16x1024xf32, #tpu.memory_space<vmem>>)
      %mul3A_102 = arith.constant 16 : i32
      %mul3A_103 = arith.muli %scan3A_52, %mul3A_102 : i32
      %add3A_104 = arith.addi %mul3A_2, %mul3A_103 : i32
      %multiple_of3A = tpu.assume_multiple %add3A_104, 16 : i32
      %jit3A_105 = arith.constant 7 : i32
      %eq3A_106 = arith.constant 0 : i32
      %eq3A_107 = arith.cmpi eq, %jit3A_105, %eq3A_106 : i32
      %jit3A_108 = arith.constant 1 : i32
      %select_n3A_109 = arith.select %eq3A_107, %jit3A_108, %jit3A_105 : i32
      %rem3A_110 = arith.remsi %scan3A_52, %select_n3A_109 : i32
      %ne3A_111 = arith.constant 0 : i32
      %ne3A_112 = arith.cmpi ne, %rem3A_110, %ne3A_111 : i32
      %lt3A_113 = arith.constant 0 : i32
      %lt3A_114 = arith.cmpi slt, %rem3A_110, %lt3A_113 : i32
      %lt3A_115 = arith.constant 0 : i32
      %lt3A_116 = arith.cmpi slt, %select_n3A_109, %lt3A_115 : i32
      %ne3A_117 = arith.xori %lt3A_114, %lt3A_116 : i1
      %and3A_118 = arith.andi %ne3A_117, %ne3A_112 : i1
      %add3A_119 = arith.addi %rem3A_110, %select_n3A_109 : i32
      %select_n3A_120 = arith.select %and3A_118, %add3A_119, %rem3A_110 : i32
      %jit3A_121 = arith.constant 7 : i32
      %eq3A_122 = arith.constant 0 : i32
      %eq3A_123 = arith.cmpi eq, %jit3A_121, %eq3A_122 : i32
      %jit3A_124 = arith.constant 1 : i32
      %select_n3A_125 = arith.select %eq3A_123, %jit3A_124, %jit3A_121 : i32
      %rem3A_126 = arith.remsi %scan3A_52, %select_n3A_125 : i32
      %ne3A_127 = arith.constant 0 : i32
      %ne3A_128 = arith.cmpi ne, %rem3A_126, %ne3A_127 : i32
      %lt3A_129 = arith.constant 0 : i32
      %lt3A_130 = arith.cmpi slt, %rem3A_126, %lt3A_129 : i32
      %lt3A_131 = arith.constant 0 : i32
      %lt3A_132 = arith.cmpi slt, %select_n3A_125, %lt3A_131 : i32
      %ne3A_133 = arith.xori %lt3A_130, %lt3A_132 : i1
      %and3A_134 = arith.andi %ne3A_133, %ne3A_128 : i1
      %add3A_135 = arith.addi %rem3A_126, %select_n3A_125 : i32
      %select_n3A_136 = arith.select %and3A_134, %add3A_135, %rem3A_126 : i32
      %dma_start3A = arith.constant 0 : i32
      %dma_start3A_137 = arith.constant 0 : i32
      %dma_start3A_138 = tpu.memref_slice %arg6[%select_n3A_120, %dma_start3A, %dma_start3A_137] : memref<7x16x1024xf32, #tpu.memory_space<vmem>> -> memref<1x16x1024xf32, #tpu.memory_space<vmem>>
      %dma_start3A_139 = tpu.memref_squeeze %dma_start3A_138 : memref<1x16x1024xf32, #tpu.memory_space<vmem>> -> memref<16x1024xf32, #tpu.memory_space<vmem>>
      %dma_start3A_140 = arith.constant 0 : i32
      %dma_start3A_141 = tpu.memref_slice %arg4[%multiple_of3A, %dma_start3A_140] : memref<8192x1024xf32, #tpu.memory_space<hbm>> -> memref<16x1024xf32, #tpu.memory_space<hbm>>
      %dma_start3A_142 = tpu.memref_slice %arg8[%select_n3A_136] : memref<7x!tpu.dma_semaphore, #tpu.memory_space<semaphore_mem>> -> memref<1x!tpu.dma_semaphore, #tpu.memory_space<semaphore_mem>>
      %dma_start3A_143 = tpu.memref_squeeze %dma_start3A_142 : memref<1x!tpu.dma_semaphore, #tpu.memory_space<semaphore_mem>> -> memref<!tpu.dma_semaphore, #tpu.memory_space<semaphore_mem>>
      %dma_start3A_144 = arith.constant 0 : i32
      %dma_start3A_145 = tpu.memref_slice %arg4[%multiple_of3A, %dma_start3A_144] : memref<8192x1024xf32, #tpu.memory_space<hbm>> -> memref<16x1024xf32, #tpu.memory_space<hbm>>
      %dma_start3A_146 = arith.constant 0 : i32
      %dma_start3A_147 = arith.constant 0 : i32
      %dma_start3A_148 = tpu.memref_slice %arg6[%select_n3A_120, %dma_start3A_146, %dma_start3A_147] : memref<7x16x1024xf32, #tpu.memory_space<vmem>> -> memref<1x16x1024xf32, #tpu.memory_space<vmem>>
      %dma_start3A_149 = tpu.memref_squeeze %dma_start3A_148 : memref<1x16x1024xf32, #tpu.memory_space<vmem>> -> memref<16x1024xf32, #tpu.memory_space<vmem>>
      tpu.enqueue_dma source(%dma_start3A_149 : memref<16x1024xf32, #tpu.memory_space<vmem>>) target(%dma_start3A_145 : memref<16x1024xf32, #tpu.memory_space<hbm>>) target_semaphore(%dma_start3A_143 : memref<!tpu.dma_semaphore, #tpu.memory_space<semaphore_mem>>)
    }
    %scan3A_45 = arith.constant 16 : i32
    %scan3A_46 = arith.constant 0 : i32
    %scan3A_47 = arith.constant 9 : i32
    %scan3A_48 = arith.constant 7 : i32
    %scan3A_49 = arith.addi %scan3A_47, %scan3A_48 : i32
    %scan3A_50 = arith.constant 1 : i32
    scf.for %scan3A_52 = %scan3A_47 to %scan3A_49 step %scan3A_50  : i32 {
      %jit3A_53 = arith.constant 7 : i32
      %eq3A_54 = arith.constant 0 : i32
      %eq3A_55 = arith.cmpi eq, %jit3A_53, %eq3A_54 : i32
      %jit3A_56 = arith.constant 1 : i32
      %select_n3A_57 = arith.select %eq3A_55, %jit3A_56, %jit3A_53 : i32
      %rem3A_58 = arith.remsi %scan3A_52, %select_n3A_57 : i32
      %ne3A_59 = arith.constant 0 : i32
      %ne3A_60 = arith.cmpi ne, %rem3A_58, %ne3A_59 : i32
      %lt3A_61 = arith.constant 0 : i32
      %lt3A_62 = arith.cmpi slt, %rem3A_58, %lt3A_61 : i32
      %lt3A_63 = arith.constant 0 : i32
      %lt3A_64 = arith.cmpi slt, %select_n3A_57, %lt3A_63 : i32
      %ne3A_65 = arith.xori %lt3A_62, %lt3A_64 : i1
      %and3A_66 = arith.andi %ne3A_65, %ne3A_60 : i1
      %add3A_67 = arith.addi %rem3A_58, %select_n3A_57 : i32
      %select_n3A_68 = arith.select %and3A_66, %add3A_67, %rem3A_58 : i32
      %jit3A_69 = arith.constant 7 : i32
      %eq3A_70 = arith.constant 0 : i32
      %eq3A_71 = arith.cmpi eq, %jit3A_69, %eq3A_70 : i32
      %jit3A_72 = arith.constant 1 : i32
      %select_n3A_73 = arith.select %eq3A_71, %jit3A_72, %jit3A_69 : i32
      %rem3A_74 = arith.remsi %scan3A_52, %select_n3A_73 : i32
      %ne3A_75 = arith.constant 0 : i32
      %ne3A_76 = arith.cmpi ne, %rem3A_74, %ne3A_75 : i32
      %lt3A_77 = arith.constant 0 : i32
      %lt3A_78 = arith.cmpi slt, %rem3A_74, %lt3A_77 : i32
      %lt3A_79 = arith.constant 0 : i32
      %lt3A_80 = arith.cmpi slt, %select_n3A_73, %lt3A_79 : i32
      %ne3A_81 = arith.xori %lt3A_78, %lt3A_80 : i1
      %and3A_82 = arith.andi %ne3A_81, %ne3A_76 : i1
      %add3A_83 = arith.addi %rem3A_74, %select_n3A_73 : i32
      %select_n3A_84 = arith.select %and3A_82, %add3A_83, %rem3A_74 : i32
      %dma_wait3A = arith.constant 0 : i32
      %dma_wait3A_85 = arith.constant 0 : i32
      %dma_wait3A_86 = tpu.memref_slice %arg6[%select_n3A_68, %dma_wait3A, %dma_wait3A_85] : memref<7x16x1024xf32, #tpu.memory_space<vmem>> -> memref<1x16x1024xf32, #tpu.memory_space<vmem>>
      %dma_wait3A_87 = tpu.memref_squeeze %dma_wait3A_86 : memref<1x16x1024xf32, #tpu.memory_space<vmem>> -> memref<16x1024xf32, #tpu.memory_space<vmem>>
      %dma_wait3A_88 = arith.constant 0 : i32
      %dma_wait3A_89 = tpu.memref_slice %arg4[%mul3A_2, %dma_wait3A_88] : memref<8192x1024xf32, #tpu.memory_space<hbm>> -> memref<16x1024xf32, #tpu.memory_space<hbm>>
      %dma_wait3A_90 = tpu.memref_slice %arg8[%select_n3A_84] : memref<7x!tpu.dma_semaphore, #tpu.memory_space<semaphore_mem>> -> memref<1x!tpu.dma_semaphore, #tpu.memory_space<semaphore_mem>>
      %dma_wait3A_91 = tpu.memref_squeeze %dma_wait3A_90 : memref<1x!tpu.dma_semaphore, #tpu.memory_space<semaphore_mem>> -> memref<!tpu.dma_semaphore, #tpu.memory_space<semaphore_mem>>
      %dma_wait3A_92 = arith.constant 0 : i32
      %dma_wait3A_93 = tpu.memref_slice %arg4[%mul3A_2, %dma_wait3A_92] : memref<8192x1024xf32, #tpu.memory_space<hbm>> -> memref<16x1024xf32, #tpu.memory_space<hbm>>
      %dma_wait3A_94 = arith.constant 0 : i32
      %dma_wait3A_95 = arith.constant 0 : i32
      %dma_wait3A_96 = tpu.memref_slice %arg6[%select_n3A_68, %dma_wait3A_94, %dma_wait3A_95] : memref<7x16x1024xf32, #tpu.memory_space<vmem>> -> memref<1x16x1024xf32, #tpu.memory_space<vmem>>
      %dma_wait3A_97 = tpu.memref_squeeze %dma_wait3A_96 : memref<1x16x1024xf32, #tpu.memory_space<vmem>> -> memref<16x1024xf32, #tpu.memory_space<vmem>>
      tpu.wait_dma2 semaphore(%dma_wait3A_91 : memref<!tpu.dma_semaphore, #tpu.memory_space<semaphore_mem>>) src(%dma_wait3A_97 : memref<16x1024xf32, #tpu.memory_space<vmem>>) dst(%dma_wait3A_93 : memref<16x1024xf32, #tpu.memory_space<hbm>>)
    }
    %scan3A_51 = arith.constant 7 : i32
    return
  }
}

</mosaic_0001>

<sc_bundles>
// kernel: kernel.3.cloned.1.call-start
scs
__scs_entry_jumppad:
0x0: {  	(pc) =	sbr.rel $0x88, $3  }
0x1: {  	(tag) =	ssettag $0x0;
	lr =	simm.s32 $0x1  }
0x2: {  	[smem:$0x3F9F] =	sst lr;
	_ =	strace $0xD0000000  }
0x3: {  	_ = 	snop  }
0x4: {  	_ = 	snop  }
0x5: {  	_ = 	snop  }
0x6: {  	_ = 	snop  }
0x7: {  	_ = 	snop  }
__scs_overlays_trampoline_lowered:
0x8: {  	[smem:$0x3FAE] =	sst s0  }
0x9: {  	[smem:$0x3FAF] =	sst s1  }
0xa: {  	[smem:$0x3FB0] =	sst s2  }
0xb: {  	[smem:$0x3FB1] =	sst s3  }
0xc: {  	[smem:$0x3FB2] =	sst s4  }
0xd: {  	[smem:$0x3FB3] =	sst s5  }
0xe: {  	[smem:$0x3FB4] =	sst s6  }
0xf: {  	[smem:$0x3FB5] =	sst s7  }
0x10: {  	[smem:$0x3FB6] =	sst s8  }
0x11: {  	[smem:$0x3FB7] =	sst s9;
	s0 =	simm.s32 @!p0 $0x0  }
0x12: {  	s1 =	sld [smem:$0x3F9D];
	s0 =	simm.s32 @p0 $0x1  }
0x13: {  	[smem:$0x3FB8] =	sst s0;
	s0 =	simm.s32 @!p1 $0x0  }
0x14: {  	s2 =	sld [smem:$0x3F9C];
	s0 =	simm.s32 @p1 $0x1  }
0x15: {  	[smem:$0x3FB9] =	sst s0;
	s0 =	simm.s32 @!p2 $0x0  }
0x16: {  	s3 =	sld [smem:$0x3FDB];
	s0 =	simm.s32 @p2 $0x1  }
0x17: {  	s4 =	simm.s32 $0x1BF5;
	[smem:$0x3FBB] =	sst s0  }
0x18: {  	s0 =	sld [smem:$0x3F9E];
	_ =	swait.ge [sflag:s4], $0x0  }
0x19: {  	s7 =	sld [smem:$0x3F9F]  }
0x1a: {  	s8 =	sadd.s32 $0xFFFFE003, lr  }
0x1b: {  	s9 =	sadd.s32 $0xFFFFFEF7, lr;
	s5 =	simm.s32 $0xFFFFFFFF;
	p2 =	slt.u32 s8, $0xFFFFF086  }
0x1c: {  	p1 =	slt.u32 s9, $0xF7A;
	s5 =	simm.s32 @!p2 $0x0  }
0x1d: {  	s5 =	simm.s32 @p1 $0x1;
	p0 =	seq.s32 s7, s2  }
0x1e: {  	s7 =	smul.u32 @!p0 $0xF7A, s2;
	p2 =	seq.s32 @!p0 s5, $0x0  }
0x1f: {  	s9 =	smul.u32 $0xF7A, s1;
	s8 =	simm.s32 @!p0 $0x1BF5;
	p2 =	por !p2, p0  }
0x20: {  	[sflag:s8] =	ssyncset.s32 @!p0 $0xFFFFF086;
	s6 =	sadd.s32 @!p0 s3, s7;
	s7 =	simm.s32 @!p0 $0x108  }
0x21: {  	s3 =	sadd.s32 s3, s9;
	s6 =	sadd.s32 @!p0 $0x88, s6;
	s7 =	simm.s32 @p2 $0x1082  }
0x22: {  	[simem:s7], [sflag:s8] =	dma.local @!p0 [hbm:s6], $0xF7A  }
0x23: {  	s9 =	sor.u32 $0xD0000000, s2;
	s6 =	simm.s32 $0x108;
	_ =	swait.ge @!p0 [sflag:s8], $0x0  }
0x24: {  	s3 =	sadd.s32 $0x88, s3;
	s6 =	simm.s32 @!p1 $0x1082;
	[sflag:s4] =	ssyncset.s32 $0xFFFFF086  }
0x25: {  	[simem:s6], [sflag:s4] =	dma.local [hbm:s3], $0xF7A  }
0x26: {  	[smem:$0x3F9F] =	sst s1;
	(tag) =	ssettag s2;
	_ =	strace s9  }
0x27: {  	s1 =	sld [smem:$0x3FAF]  }
0x28: {  	s2 =	sld [smem:$0x3FB0]  }
0x29: {  	s4 =	sld [smem:$0x3FB2]  }
0x2a: {  	p0 =	seq.s32 s5, $0x0;
	s5 =	sld [smem:$0x3FB3]  }
0x2b: {  	s6 =	sld [smem:$0x3FB4]  }
0x2c: {  	s7 =	sld [smem:$0x3FB5]  }
0x2d: {  	s3 =	simm.s32 $0x108;
	s8 =	sld [smem:$0x3FB6]  }
0x2e: {  	s3 =	simm.s32 @!p0 $0x1082;
	s9 =	sld [smem:$0x3FB7]  }
0x2f: {  	lr =	sadd.s32 s0, s3;
	s0 =	sld [smem:$0x3FAE]  }
0x30: {  	s3 =	sld [smem:$0x3FB1]  }
0x31: {  	[smem:$0x3FBA] =	sst s10  }
0x32: {  	s10 =	sld [smem:$0x3FB8];
	_ =	sdelay $0x3  }
0x33: {  	p0 =	seq.s32 s10, $0x1;
	s10 =	sld [smem:$0x3FBA];
	_ =	sdelay $0x3  }
0x34: {  	[smem:$0x3FBA] =	sst s10  }
0x35: {  	s10 =	sld [smem:$0x3FB9];
	_ =	sdelay $0x3  }
0x36: {  	p1 =	seq.s32 s10, $0x1;
	s10 =	sld [smem:$0x3FBA];
	_ =	sdelay $0x3  }
0x37: {  	[smem:$0x3FBA] =	sst s10  }
0x38: {  	s10 =	sld [smem:$0x3FBB]  }
0x39: {  	_ = 	snop;
	(pc) =	sbr.ind lr, $3  }
0x3a: {  	_ = 	snop  }
0x3b: {  	_ = 	snop  }
0x3c: {  	p2 =	seq.s32 s10, $0x1;
	s10 =	sld [smem:$0x3FBA]  }
0x3d: {  	_ =	shalt  }
0x3e: {  	_ =	shalt  }
0x3f: {  	_ =	shalt  }
0x40: {  	_ =	shalt  }
0x41: {  	_ =	shalt  }
0x42: {  	_ =	shalt  }
0x43: {  	_ =	shalt  }
0x44: {  	_ =	shalt  }
0x45: {  	_ =	shalt  }
0x46: {  	_ =	shalt  }
0x47: {  	_ =	shalt  }
0x48: {  	_ =	shalt  }
0x49: {  	_ =	shalt  }
0x4a: {  	_ =	shalt  }
0x4b: {  	_ =	shalt  }
0x4c: {  	_ =	shalt  }
0x4d: {  	_ =	shalt  }
0x4e: {  	_ =	shalt  }
0x4f: {  	_ =	shalt  }
0x50: {  	_ =	shalt  }
0x51: {  	_ =	shalt  }
0x52: {  	_ =	shalt  }
0x53: {  	_ =	shalt  }
0x54: {  	_ =	shalt  }
0x55: {  	_ =	shalt  }
0x56: {  	_ =	shalt  }
0x57: {  	_ =	shalt  }
0x58: {  	_ =	shalt  }
0x59: {  	_ =	shalt  }
0x5a: {  	_ =	shalt  }
0x5b: {  	_ =	shalt  }
0x5c: {  	_ =	shalt  }
0x5d: {  	_ =	shalt  }
0x5e: {  	_ =	shalt  }
0x5f: {  	_ =	shalt  }
0x60: {  	_ =	shalt  }
0x61: {  	_ =	shalt  }
0x62: {  	_ =	shalt  }
0x63: {  	_ =	shalt  }
0x64: {  	_ =	shalt  }
0x65: {  	_ =	shalt  }
0x66: {  	_ =	shalt  }
0x67: {  	_ =	shalt  }
0x68: {  	_ =	shalt  }
0x69: {  	_ =	shalt  }
0x6a: {  	_ =	shalt  }
0x6b: {  	_ =	shalt  }
0x6c: {  	_ =	shalt  }
0x6d: {  	_ =	shalt  }
0x6e: {  	_ =	shalt  }
0x6f: {  	_ =	shalt  }
0x70: {  	_ =	shalt  }
0x71: {  	_ =	shalt  }
0x72: {  	_ =	shalt  }
0x73: {  	_ =	shalt  }
0x74: {  	_ =	shalt  }
0x75: {  	_ =	shalt  }
0x76: {  	_ =	shalt  }
0x77: {  	_ =	shalt  }
0x78: {  	_ =	shalt  }
0x79: {  	_ =	shalt  }
0x7a: {  	_ =	shalt  }
0x7b: {  	_ =	shalt  }
0x7c: {  	_ =	shalt  }
0x7d: {  	_ =	shalt  }
0x7e: {  	_ =	shalt  }
0x7f: {  	_ =	shalt  }
0x80: {  	_ =	shalt  }
0x81: {  	_ =	shalt  }
0x82: {  	_ =	shalt  }
0x83: {  	_ =	shalt  }
0x84: {  	_ =	shalt  }
0x85: {  	_ =	shalt  }
0x86: {  	_ =	shalt  }
0x87: {  	_ =	shalt  }
.Lfunc_end0:
.L_simem_size_0:
called_computation_lowered:
.L_overlay_start_0:
0x88: {  	s2 =	sld [smem:$0x3FD9]  }
0x89: {  	s3 =	sld [smem:$0x3FFE];
	_ =	sdelay $0x1  }
0x8a: {  	s1 =	srdreg.scid  }
0x8b: {  	s0 =	sand.u32 $0x1, s1  }
0x8c: {  	s18 =	sshll.u32 s0, $0xA;
	s2 =	sadd.s32 s3, s2  }
0x8d: {  	s2 =	sadd.s32 s2, s18  }
0x8e: {  	[smem:$0x3FC6] =	sst s2  }
0x8f: {  	_ = 	snop  }
0x90: {  	s2 =	sld [smem:$0x3FC9]  }
0x91: {  	s19 =	sld [smem:$0x3FC8]  }
0x92: {  	s4 =	sld [smem:$0x3FD0];
	(tm) =	ssettm $0x1  }
0x93: {  	s5 =	sld [smem:$0x3FFB];
	_ =	sdelay $0x3  }
0x94: {  	_ =	strace s5  }
0x95: {  	s5 =	sld [smem:$0x3FFC];
	_ =	sdelay $0x3  }
0x96: {  	_ =	strace s5  }
0x97: {  	s5 =	sld [smem:$0x3FFD];
	_ =	sdelay $0x3  }
0x98: {  	_ =	strace s5  }
0x99: {  	_ =	strace $0x8FFFFFFF  }
0x9a: {  	s20 =	sld [smem:$0x3FDB];
	_ =	sdelay $0x1  }
0x9b: {  	s6 =	simm.s32 $_scs_section_size  }
0x9c: {  	s7 =	simm.s32 $_size__tile_overlayer_lowered;
	s8 =	simm.s32 $_tile_overlayer_lowered  }
0x9d: {  	s23 =	simm.s32 $0x1BFF;
	s22 =	sshll.u32 s8, $0x1;
	s5 =	sadd.s32 s6, s20  }
0x9e: {  	s9 =	simm.s32 $0x0;
	s21 =	sshll.u32 s7, $0x1;
	s7 =	sadd.s32 s22, s5  }
0x9f: {  	[timem:s9], [sflag:s23] =	dma.local [hbm:s7], s21  }
0xa0: {  	_ =	swait.ge [sflag:s23], s21  }
0xa1: {  	s6 =	ssub.s32 $0x0, s21;
	[sflag:s23] =	ssyncset.done $0x0  }
0xa2: {  	[sflag:s23] =	ssyncadd.s32 s6;
	_ =	sdelay $0x1  }
0xa3: {  	s24 =	simm.s32 $0x1B8B  }
0xa4: {  	_ =	swait.ge [sflag:s24], $0x1  }
0xa5: {  	[sflag:s24] =	ssyncset.done $0x0  }
0xa6: {  	s25 =	simm.s32 $0x1B8E;
	[sflag:s24] =	ssyncadd.s32 $0xFFFFFFFF  }
0xa7: {  	s26 =	simm.s32 $execute0_lowered;
	[smem:$0x3FD2] =	sst s25  }
0xa8: {  	s6 =	sshll.u32 s26, $0x1;
	_ =	strace $0x80000046;
	[dreg:$0x1] =	wrdreg $0xFFFFFFFF  }
0xa9: {  	s28 =	simm.s32 $_size_execute0_lowered;
	s5 =	sadd.s32 s5, s6;
	[dreg:$0x0] =	wrdreg $0x0  }
0xaa: {  	s6 =	sshll.u32 s28, $0x1;
	[dreg:$0x2] =	wrdreg s5  }
0xab: {  	[dreg:$0x3] =	wrdreg s6  }
0xac: {  	[dreg:$0x4] =	wrdreg $0xC0  }
0xad: {  	_ =	task [dreg:s9], $0x5FFFF  }
0xae: {  	[dreg:$0x1] =	wrdreg $0xFFFFFFFF  }
0xaf: {  	[dreg:$0x0] =	wrdreg $0x60  }
0xb0: {  	[dreg:$0x2] =	wrdreg s19  }
0xb1: {  	[dreg:$0x3] =	wrdreg s2  }
0xb2: {  	[dreg:$0x4] =	wrdreg s4  }
0xb3: {  	[dreg:$0x5] =	wrdreg $0x9  }
0xb4: {  	_ =	task.clear_ibuf [dreg:s9], $0x6FFFF;
	_ =	strace $0x90000046  }
0xb5: {  	s29 =	simm.s32 $0x9;
	_ =	strace $0x80000048  }
0xb6: {  	_ =	swait.ge [sflag:s29], $0x1  }
0xb7: {  	[sflag:s29] =	ssyncadd.s32 $0xFFFFFFFF  }
0xb8: {  	_ =	strace $0x90000048  }
0xb9: {  	_ =	sfence  }
0xba: {  	s30 =	sld [smem:$0x0];
	_ =	sdelay $0x2  }
0xbb: {  	s31 =	sshll.u32 s1, $0xD;
	s1 =	sshrl.u32 s1, $0x2  }
0xbc: {  	s3 =	sand.u32 $0x4000, s31;
	s1 =	sadd.s32 s1, s30  }
0xbd: {  	s0 =	sor.u32 s3, s0;
	s1 =	sshll.u32 s1, $0x11  }
0xbe: {  	s0 =	sor.u32 s1, s0  }
0xbf: {  	s0 =	sadd.s32 $0x8F2B, s0  }
0xc0: {  	[sflag:s0] =	ssyncadd.remote.s32 $0x1  }
0xc1: {  	_ =	sfence.sel $0xFFFF  }
0xc2: {  	[dreg:$0x0] =	wrdreg $0xFFFFFFFF;
	(pc) =	sbr.abs _section_cstart, $3  }
0xc3: {  	[dreg:$0x1] =	wrdreg $0xFFFFFFFF  }
0xc4: {  	_ =	task.clear_ibuf [dreg:s9], $0x2FFFF;
	_ =	strace $0x9FFFFFFF  }
0xc5: {  	(tm) =	ssettm $0x7FFFFFFF  }
tec
execute0_lowered:
.L_overlay_start_1:
0x0: {  	(tag) =	ssettag $0x1  }
0x1: {  	s1 =	rddreg [dreg:$0x0]  }
0x2: {  	s0 =	rddreg [dreg:$0x1]  }
0x3: {  	s2 =	rddreg [dreg:$0x2];
	s3 =	simm.s32 $0x0  }
0x4: {  	s4 =	srdreg.scid;
	s9 =	stileid.u32;
	s21 =	simm.s32 $0xE  }
0x5: {  	s22 =	simm.s32 $0x8;
	s23 =	simm.s32 $0x9;
	s24 =	simm.s32 $0x0  }
0x6: {  	[smem:$0x7FF] =	sst s3;
	s4 =	sand.u32 $0x1, s4;
	s5 =	sshll.u32 s9, $0x8  }
0x7: {  	s7 =	sshll.u32 s9, $0x2;
	s30 =	sshll.u32 s9, $0x10;
	_ =	strace $0x80000047  }
0x8: {  	s6 =	sshll.u32 s4, $0x7;
	s8 =	ssub.s32 $0x2, s4;
	s28 =	sand.u32 $0x30, s7  }
0x9: {  	s7 =	sadd.s32 $0x300, s1;
	s31 =	sshll.u32 s4, $0xF;
	s5 =	sor.u32 s6, s5  }
0xa: {  	s29 =	sshrl.u32 s8, $0x1;
	s0 =	sadd.s32 s0, s28;
	s5 =	sand.u32 $0x380, s5  }
0xb: {  	v2 =	vlaneseq.u32;
	s6 =	sadd.s32 $0x200, s1;
	s8 =	ssub.s32 s8, s29;
	s0 =	sadd.s32 s5, s0  }
0xc: {  	vm0 =	vmmov $0xffff;
	v1 =	vshrl.u32 v2, $0x3;
	s8 =	smax.u32 s8, $0x1;
	[dreg:$0x4] =	wrdreg s0;
	s0 =	sadd.s32 s30, s2  }
0xd: {  	v0 =	vand.u32 $0x7, v2;
	v2 =	vor.u32 $0x8, v2;
	v1 =	vmul.u32 $0x8, v1;
	s5 =	sadd.s32 $0x100, s1;
	[dreg:$0x5] =	wrdreg s8;
	s10 =	sadd.s32 s31, s0  }
.LBB2_1:
0xe: {  	s0 =	rddreg [dreg:$0x4]  }
0xf: {  	s2 =	simm.s32 $0x80;
	s4 =	simm.s32 $0x200;
	s14 =	simm.s32 $0xF  }
0x10: {  	[tilespmem:s3], [sflag:$0xF] =	stream.strided.gather [hbm4b:s0+s2], $0x100, s4, s2, $0x38;
	[tilespmem:$0x1C100] =	vst v63  }
0x11: {  	_ =	swait.ge [sflag:s14], $0x100  }
0x12: {  	[sflag:s14] =	ssyncset.done $0x0  }
0x13: {  	[sflag:s14] =	ssyncadd.s32 $0xFFFFFF00  }
0x14: {  	v3 =	vld [tilespmem:$0x0];
	_ =	sdelay $0x4  }
0x15: {  	v4 =	vshll.u32 v3, $0x3  }
0x16: {  	v3 =	vand.u32 $0x7, v3;
	v4 =	vand.u32 $0xFFFFFFC0, v4  }
0x17: {  	v3 =	vor.u32 v3, v4  }
0x18: {  	v4 =	vperm.xlane v3, v0;
	_ =	sdelay $0x1  }
0x19: {  	v4 =	vadd.s32 v1, v4;
	_ =	sdelay $0x3  }
0x1a: {  	s15 =	simm.s32 $0x100  }
0x1b: {  	[tilespmem:s15], [sflag:$0x1] =	stream.indirect_vreg.gather [hbm4b:s1+s3], $0x80, v4, vm0, $0xb8;
	[tilespmem:$0x1C100] =	vst v63  }
0x1c: {  	s16 =	simm.s32 $0x900;
	v3 =	vperm.xlane v3, v2  }
0x1d: {  	[tilespmem:s16], [sflag:$0x1] =	stream.indirect_vreg.gather [hbm4b:s5+s3], $0x80, v4, vm0, $0xb8;
	[tilespmem:$0x1C100] =	vst v63  }
0x1e: {  	s17 =	simm.s32 $0x1100;
	v3 =	vadd.s32 v1, v3  }
0x1f: {  	[tilespmem:s17], [sflag:$0x1] =	stream.indirect_vreg.gather [hbm4b:s6+s3], $0x80, v4, vm0, $0xb8;
	[tilespmem:$0x1C100] =	vst v63  }
0x20: {  	s18 =	simm.s32 $0x1900  }
0x21: {  	[tilespmem:s18], [sflag:$0x1] =	stream.indirect_vreg.gather [hbm4b:s7+s3], $0x80, v4, vm0, $0xb8;
	[tilespmem:$0x1C100] =	vst v63  }
0x22: {  	s19 =	simm.s32 $0x2100  }
0x23: {  	[tilespmem:s19], [sflag:$0x1] =	stream.indirect_vreg.gather [hbm4b:s1+s3], $0x80, v3, vm0, $0xb8;
	[tilespmem:$0x1C100] =	vst v63  }
0x24: {  	s20 =	simm.s32 $0x2900  }
0x25: {  	[tilespmem:s20], [sflag:$0x1] =	stream.indirect_vreg.gather [hbm4b:s5+s3], $0x80, v3, vm0, $0xb8;
	[tilespmem:$0x1C100] =	vst v63  }
0x26: {  	s25 =	simm.s32 $0x3100  }
0x27: {  	[tilespmem:s25], [sflag:$0x1] =	stream.indirect_vreg.gather [hbm4b:s6+s3], $0x80, v3, vm0, $0xb8;
	[tilespmem:$0x1C100] =	vst v63  }
0x28: {  	s26 =	simm.s32 $0x3900  }
0x29: {  	[tilespmem:s26], [sflag:$0x1] =	stream.indirect_vreg.gather [hbm4b:s7+s3], $0x80, v3, vm0, $0xb8;
	[tilespmem:$0x1C100] =	vst v63  }
0x2a: {  	v3 =	vld [tilespmem:$0x10];
	_ =	sdelay $0x4  }
0x2b: {  	v4 =	vshll.u32 v3, $0x3  }
0x2c: {  	v3 =	vand.u32 $0x7, v3;
	v4 =	vand.u32 $0xFFFFFFC0, v4  }
0x2d: {  	v3 =	vor.u32 v3, v4  }
0x2e: {  	v4 =	vperm.xlane v3, v0;
	_ =	sdelay $0x1  }
0x2f: {  	v4 =	vadd.s32 v1, v4;
	_ =	sdelay $0x3  }
0x30: {  	s2 =	simm.s32 $0x4100  }
0x31: {  	[tilespmem:s2], [sflag:$0x2] =	stream.indirect_vreg.gather [hbm4b:s1+s3], $0x80, v4, vm0, $0xb8;
	[tilespmem:$0x1C100] =	vst v63  }
0x32: {  	s4 =	simm.s32 $0x4900;
	v3 =	vperm.xlane v3, v2  }
0x33: {  	[tilespmem:s4], [sflag:$0x2] =	stream.indirect_vreg.gather [hbm4b:s5+s3], $0x80, v4, vm0, $0xb8;
	[tilespmem:$0x1C100] =	vst v63  }
0x34: {  	s8 =	simm.s32 $0x5100;
	v3 =	vadd.s32 v1, v3  }
0x35: {  	[tilespmem:s8], [sflag:$0x2] =	stream.indirect_vreg.gather [hbm4b:s6+s3], $0x80, v4, vm0, $0xb8;
	[tilespmem:$0x1C100] =	vst v63  }
0x36: {  	s9 =	simm.s32 $0x5900  }
0x37: {  	[tilespmem:s9], [sflag:$0x2] =	stream.indirect_vreg.gather [hbm4b:s7+s3], $0x80, v4, vm0, $0xb8;
	[tilespmem:$0x1C100] =	vst v63  }
0x38: {  	s11 =	simm.s32 $0x6100  }
0x39: {  	[tilespmem:s11], [sflag:$0x2] =	stream.indirect_vreg.gather [hbm4b:s1+s3], $0x80, v3, vm0, $0xb8;
	[tilespmem:$0x1C100] =	vst v63  }
0x3a: {  	s12 =	simm.s32 $0x6900  }
0x3b: {  	[tilespmem:s12], [sflag:$0x2] =	stream.indirect_vreg.gather [hbm4b:s5+s3], $0x80, v3, vm0, $0xb8;
	[tilespmem:$0x1C100] =	vst v63  }
0x3c: {  	s13 =	simm.s32 $0x7100  }
0x3d: {  	[tilespmem:s13], [sflag:$0x2] =	stream.indirect_vreg.gather [hbm4b:s6+s3], $0x80, v3, vm0, $0xb8;
	[tilespmem:$0x1C100] =	vst v63  }
0x3e: {  	s14 =	simm.s32 $0x7900  }
0x3f: {  	[tilespmem:s14], [sflag:$0x2] =	stream.indirect_vreg.gather [hbm4b:s7+s3], $0x80, v3, vm0, $0xb8;
	[tilespmem:$0x1C100] =	vst v63  }
0x40: {  	v3 =	vld [tilespmem:$0x20];
	_ =	sdelay $0x4  }
0x41: {  	v4 =	vshll.u32 v3, $0x3  }
0x42: {  	v3 =	vand.u32 $0x7, v3;
	v4 =	vand.u32 $0xFFFFFFC0, v4  }
0x43: {  	v3 =	vor.u32 v3, v4  }
0x44: {  	v4 =	vperm.xlane v3, v0;
	_ =	sdelay $0x1  }
0x45: {  	v4 =	vadd.s32 v1, v4;
	_ =	sdelay $0x3  }
0x46: {  	s15 =	simm.s32 $0x8100  }
0x47: {  	[tilespmem:s15], [sflag:$0x3] =	stream.indirect_vreg.gather [hbm4b:s1+s3], $0x80, v4, vm0, $0xb8;
	[tilespmem:$0x1C100] =	vst v63  }
0x48: {  	s16 =	simm.s32 $0x8900;
	v3 =	vperm.xlane v3, v2  }
0x49: {  	[tilespmem:s16], [sflag:$0x3] =	stream.indirect_vreg.gather [hbm4b:s5+s3], $0x80, v4, vm0, $0xb8;
	[tilespmem:$0x1C100] =	vst v63  }
0x4a: {  	s17 =	simm.s32 $0x9100;
	v3 =	vadd.s32 v1, v3  }
0x4b: {  	[tilespmem:s17], [sflag:$0x3] =	stream.indirect_vreg.gather [hbm4b:s6+s3], $0x80, v4, vm0, $0xb8;
	[tilespmem:$0x1C100] =	vst v63  }
0x4c: {  	s18 =	simm.s32 $0x9900  }
0x4d: {  	[tilespmem:s18], [sflag:$0x3] =	stream.indirect_vreg.gather [hbm4b:s7+s3], $0x80, v4, vm0, $0xb8;
	[tilespmem:$0x1C100] =	vst v63  }
0x4e: {  	s19 =	simm.s32 $0xA100  }
0x4f: {  	[tilespmem:s19], [sflag:$0x3] =	stream.indirect_vreg.gather [hbm4b:s1+s3], $0x80, v3, vm0, $0xb8;
	[tilespmem:$0x1C100] =	vst v63  }
0x50: {  	s20 =	simm.s32 $0xA900  }
0x51: {  	[tilespmem:s20], [sflag:$0x3] =	stream.indirect_vreg.gather [hbm4b:s5+s3], $0x80, v3, vm0, $0xb8;
	[tilespmem:$0x1C100] =	vst v63  }
0x52: {  	s25 =	simm.s32 $0xB100  }
0x53: {  	[tilespmem:s25], [sflag:$0x3] =	stream.indirect_vreg.gather [hbm4b:s6+s3], $0x80, v3, vm0, $0xb8;
	[tilespmem:$0x1C100] =	vst v63  }
0x54: {  	s26 =	simm.s32 $0xB900  }
0x55: {  	[tilespmem:s26], [sflag:$0x3] =	stream.indirect_vreg.gather [hbm4b:s7+s3], $0x80, v3, vm0, $0xb8;
	[tilespmem:$0x1C100] =	vst v63  }
0x56: {  	v3 =	vld [tilespmem:$0x30];
	_ =	sdelay $0x4  }
0x57: {  	v4 =	vshll.u32 v3, $0x3  }
0x58: {  	v3 =	vand.u32 $0x7, v3;
	v4 =	vand.u32 $0xFFFFFFC0, v4  }
0x59: {  	v3 =	vor.u32 v3, v4  }
0x5a: {  	v4 =	vperm.xlane v3, v0;
	_ =	sdelay $0x1  }
0x5b: {  	v4 =	vadd.s32 v1, v4;
	_ =	sdelay $0x3  }
0x5c: {  	s2 =	simm.s32 $0xC100  }
0x5d: {  	[tilespmem:s2], [sflag:$0x4] =	stream.indirect_vreg.gather [hbm4b:s1+s3], $0x80, v4, vm0, $0xb8;
	[tilespmem:$0x1C100] =	vst v63  }
0x5e: {  	s4 =	simm.s32 $0xC900;
	v3 =	vperm.xlane v3, v2  }
0x5f: {  	[tilespmem:s4], [sflag:$0x4] =	stream.indirect_vreg.gather [hbm4b:s5+s3], $0x80, v4, vm0, $0xb8;
	[tilespmem:$0x1C100] =	vst v63  }
0x60: {  	s8 =	simm.s32 $0xD100;
	v3 =	vadd.s32 v1, v3  }
0x61: {  	[tilespmem:s8], [sflag:$0x4] =	stream.indirect_vreg.gather [hbm4b:s6+s3], $0x80, v4, vm0, $0xb8;
	[tilespmem:$0x1C100] =	vst v63  }
0x62: {  	s9 =	simm.s32 $0xD900  }
0x63: {  	[tilespmem:s9], [sflag:$0x4] =	stream.indirect_vreg.gather [hbm4b:s7+s3], $0x80, v4, vm0, $0xb8;
	[tilespmem:$0x1C100] =	vst v63  }
0x64: {  	s11 =	simm.s32 $0xE100  }
0x65: {  	[tilespmem:s11], [sflag:$0x4] =	stream.indirect_vreg.gather [hbm4b:s1+s3], $0x80, v3, vm0, $0xb8;
	[tilespmem:$0x1C100] =	vst v63  }
0x66: {  	s12 =	simm.s32 $0xE900  }
0x67: {  	[tilespmem:s12], [sflag:$0x4] =	stream.indirect_vreg.gather [hbm4b:s5+s3], $0x80, v3, vm0, $0xb8;
	[tilespmem:$0x1C100] =	vst v63  }
0x68: {  	s13 =	simm.s32 $0xF100  }
0x69: {  	[tilespmem:s13], [sflag:$0x4] =	stream.indirect_vreg.gather [hbm4b:s6+s3], $0x80, v3, vm0, $0xb8;
	[tilespmem:$0x1C100] =	vst v63  }
0x6a: {  	s14 =	simm.s32 $0xF900  }
0x6b: {  	[tilespmem:s14], [sflag:$0x4] =	stream.indirect_vreg.gather [hbm4b:s7+s3], $0x80, v3, vm0, $0xb8;
	[tilespmem:$0x1C100] =	vst v63  }
0x6c: {  	v3 =	vld [tilespmem:$0x40];
	_ =	sdelay $0x4  }
0x6d: {  	v4 =	vshll.u32 v3, $0x3  }
0x6e: {  	v3 =	vand.u32 $0x7, v3;
	v4 =	vand.u32 $0xFFFFFFC0, v4  }
0x6f: {  	v3 =	vor.u32 v3, v4  }
0x70: {  	v4 =	vperm.xlane v3, v0;
	_ =	sdelay $0x1  }
0x71: {  	v4 =	vadd.s32 v1, v4;
	_ =	sdelay $0x3  }
0x72: {  	s15 =	simm.s32 $0x10100  }
0x73: {  	[tilespmem:s15], [sflag:$0x5] =	stream.indirect_vreg.gather [hbm4b:s1+s3], $0x80, v4, vm0, $0xb8;
	[tilespmem:$0x1C100] =	vst v63  }
0x74: {  	s16 =	simm.s32 $0x10900;
	v3 =	vperm.xlane v3, v2  }
0x75: {  	[tilespmem:s16], [sflag:$0x5] =	stream.indirect_vreg.gather [hbm4b:s5+s3], $0x80, v4, vm0, $0xb8;
	[tilespmem:$0x1C100] =	vst v63  }
0x76: {  	s17 =	simm.s32 $0x11100;
	v3 =	vadd.s32 v1, v3  }
0x77: {  	[tilespmem:s17], [sflag:$0x5] =	stream.indirect_vreg.gather [hbm4b:s6+s3], $0x80, v4, vm0, $0xb8;
	[tilespmem:$0x1C100] =	vst v63  }
0x78: {  	s18 =	simm.s32 $0x11900  }
0x79: {  	[tilespmem:s18], [sflag:$0x5] =	stream.indirect_vreg.gather [hbm4b:s7+s3], $0x80, v4, vm0, $0xb8;
	[tilespmem:$0x1C100] =	vst v63  }
0x7a: {  	s19 =	simm.s32 $0x12100  }
0x7b: {  	[tilespmem:s19], [sflag:$0x5] =	stream.indirect_vreg.gather [hbm4b:s1+s3], $0x80, v3, vm0, $0xb8;
	[tilespmem:$0x1C100] =	vst v63  }
0x7c: {  	s20 =	simm.s32 $0x12900  }
0x7d: {  	[tilespmem:s20], [sflag:$0x5] =	stream.indirect_vreg.gather [hbm4b:s5+s3], $0x80, v3, vm0, $0xb8;
	[tilespmem:$0x1C100] =	vst v63  }
0x7e: {  	s25 =	simm.s32 $0x13100  }
0x7f: {  	[tilespmem:s25], [sflag:$0x5] =	stream.indirect_vreg.gather [hbm4b:s6+s3], $0x80, v3, vm0, $0xb8;
	[tilespmem:$0x1C100] =	vst v63  }
0x80: {  	s26 =	simm.s32 $0x13900  }
0x81: {  	[tilespmem:s26], [sflag:$0x5] =	stream.indirect_vreg.gather [hbm4b:s7+s3], $0x80, v3, vm0, $0xb8;
	[tilespmem:$0x1C100] =	vst v63  }
0x82: {  	v3 =	vld [tilespmem:$0x50];
	_ =	sdelay $0x4  }
0x83: {  	v4 =	vshll.u32 v3, $0x3  }
0x84: {  	v3 =	vand.u32 $0x7, v3;
	v4 =	vand.u32 $0xFFFFFFC0, v4  }
0x85: {  	v3 =	vor.u32 v3, v4  }
0x86: {  	v4 =	vperm.xlane v3, v0;
	_ =	sdelay $0x1  }
0x87: {  	v4 =	vadd.s32 v1, v4;
	_ =	sdelay $0x3  }
0x88: {  	p0 =	por $0x0, $0x0;
	s2 =	simm.s32 $0x14100  }
0x89: {  	[tilespmem:s2], [sflag:$0x6] =	stream.indirect_vreg.gather [hbm4b:s1+s3], $0x80, v4, vm0, $0xb8;
	[tilespmem:$0x1C100] =	vst v63  }
0x8a: {  	p1 =	por @!p0 $0x1, $0x1;
	s4 =	simm.s32 $0x14900;
	v3 =	vperm.xlane v3, v2  }
0x8b: {  	[tilespmem:s4], [sflag:$0x6] =	stream.indirect_vreg.gather [hbm4b:s5+s3], $0x80, v4, vm0, $0xb8;
	[tilespmem:$0x1C100] =	vst v63  }
0x8c: {  	p2 =	por p1, p0;
	s8 =	simm.s32 $0x15100;
	v3 =	vadd.s32 v1, v3  }
0x8d: {  	[tilespmem:s8], [sflag:$0x6] =	stream.indirect_vreg.gather [hbm4b:s6+s3], $0x80, v4, vm0, $0xb8;
	[tilespmem:$0x1C100] =	vst v63  }
0x8e: {  	p3 =	por @!p2 $0x1, $0x1;
	s9 =	simm.s32 $0x15900  }
0x8f: {  	[tilespmem:s9], [sflag:$0x6] =	stream.indirect_vreg.gather [hbm4b:s7+s3], $0x80, v4, vm0, $0xb8;
	[tilespmem:$0x1C100] =	vst v63  }
0x90: {  	p1 =	por @!p0 !p3, p1;
	s11 =	simm.s32 $0x16100  }
0x91: {  	[tilespmem:s11], [sflag:$0x6] =	stream.indirect_vreg.gather [hbm4b:s1+s3], $0x80, v3, vm0, $0xb8;
	[tilespmem:$0x1C100] =	vst v63  }
0x92: {  	s0 =	simm.s32 @!p2 $0xFFFFFFFF;
	p1 =	por !p1, p0;
	s12 =	simm.s32 $0x16900  }
0x93: {  	[tilespmem:s12], [sflag:$0x6] =	stream.indirect_vreg.gather [hbm4b:s5+s3], $0x80, v3, vm0, $0xb8;
	[tilespmem:$0x1C100] =	vst v63  }
0x94: {  	s0 =	simm.s32 @!p1 $0xFFFFFFF8;
	s13 =	simm.s32 $0x17100  }
0x95: {  	[tilespmem:s13], [sflag:$0x6] =	stream.indirect_vreg.gather [hbm4b:s6+s3], $0x80, v3, vm0, $0xb8;
	[tilespmem:$0x1C100] =	vst v63  }
0x96: {  	s0 =	sadd.s32 @!p2 $0x8, s0;
	s14 =	simm.s32 $0x17900  }
0x97: {  	[tilespmem:s14], [sflag:$0x6] =	stream.indirect_vreg.gather [hbm4b:s7+s3], $0x80, v3, vm0, $0xb8;
	[tilespmem:$0x1C100] =	vst v63  }
0x98: {  	_ =	swait.ge @!p2 [sflag:s0], $0x4000  }
0x99: {  	p1 =	por p0, p0;
	[sflag:s0] =	ssyncset.done @!p2 $0x0  }
0x9a: {  	s2 =	simm.s32 $0x60;
	s4 =	simm.s32 $0x6;
	[sflag:s0] =	ssyncadd.s32 @!p2 $0xFFFFC000  }
0x9b: {  	s4 =	smul.u32 @!p0 $0x25, s4;
	v3 =	vld @!p1 [tilespmem:s2+$0x0];
	_ =	sdelay $0x1  }
0x9c: {  	s0 =	sshrl.u32 @!p0 s4, $0x8  }
0x9d: {  	s2 =	ssub.s32 @!p0 $0x6, s0  }
0x9e: {  	s2 =	sand.u32 @!p0 $0xFE, s2  }
0x9f: {  	s2 =	sshrl.u32 @!p0 s2, $0x1;
	v4 =	vshll.u32 @!p1 v3, $0x3  }
0xa0: {  	v5 =	vlaneseq.u32 @!p0;
	s0 =	sadd.s32 @!p0 s0, s2;
	v3 =	vand.u32 @!p1 $0x7, v3;
	v4 =	vand.u32 @!p1 $0xFFFFFFC0, v4  }
0xa1: {  	v6 =	vand.u32 @!p0 $0x7, v5;
	v7 =	vshrl.u32 @!p0 v5, $0x3;
	s15 =	smul.u32 $0x25, s3;
	s0 =	sand.u32 @!p0 $0xFC, s0;
	v3 =	vor.u32 @!p1 v3, v4  }
0xa2: {  	s28 =	simm.s32 $0x1;
	s0 =	sshrl.u32 @!p0 s0, $0x2;
	v4 =	vmul.u32 @!p0 $0x8, v7;
	v6 =	vperm.xlane @!p1 v3, v6  }
0xa3: {  	s31 =	simm.s32 $0x70;
	s2 =	sshrl.u32 s15, $0x8;
	s0 =	smul.u32 @!p0 $0x7, s0  }
0xa4: {  	s29 =	simm.s32 $0x9;
	s30 =	simm.s32 $0x80;
	s16 =	ssub.s32 $0x0, s2;
	v6 =	vadd.s32 @!p1 v4, v6  }
0xa5: {  	s25 =	simm.s32 $0x2;
	s4 =	sand.u32 $0xFE, s16;
	s0 =	ssub.s32 @!p1 $0x6, s0  }
0xa6: {  	s26 =	sadd.s32 $0x800, s10;
	s4 =	sshrl.u32 s4, $0x1;
	s8 =	sand.u32 @!p1 $0xFF, s0  }
0xa7: {  	s2 =	sadd.s32 s2, s4;
	s4 =	simm.s32 @!p1 $0x0;
	s9 =	sshll.u32 @!p1 s8, $0xE  }
0xa8: {  	vm1 =	vmmov @!p0 $0xffff;
	v5 =	vor.u32 @!p0 $0x8, v5;
	p0 =	por $0x0, $0x0;
	s8 =	sadd.s32 @!p1 $0x1, s8;
	s14 =	sor.u32 @!p1 $0x100, s9  }
0xa9: {  	[tilespmem:s14], [sflag:s8] =	stream.indirect_vreg.gather @!p1 [hbm4b:s1+s4], $0x80, v6, vm1, $0xb8;
	[tilespmem:$0x1C100] =	vst v63  }
0xaa: {  	s2 =	sand.u32 $0xFC, s2;
	v3 =	vperm.xlane @!p1 v3, v5;
	p2 =	por @!p0 $0x0, $0x0;
	s15 =	sor.u32 @!p1 $0x900, s9  }
0xab: {  	[tilespmem:s15], [sflag:s8] =	stream.indirect_vreg.gather @!p1 [hbm4b:s5+s4], $0x80, v6, vm1, $0xb8;
	[tilespmem:$0x1C100] =	vst v63  }
0xac: {  	s0 =	simm.s32 $0x3;
	s2 =	sshrl.u32 s2, $0x2;
	v3 =	vadd.s32 @!p1 v4, v3;
	s16 =	sor.u32 @!p1 $0x1100, s9  }
0xad: {  	[tilespmem:s16], [sflag:s8] =	stream.indirect_vreg.gather @!p1 [hbm4b:s6+s4], $0x80, v6, vm1, $0xb8;
	[tilespmem:$0x1C100] =	vst v63  }
0xae: {  	p3 =	por p2, p0;
	s2 =	smul.u32 $0x7, s2;
	s11 =	sor.u32 @!p1 $0x1900, s9  }
0xaf: {  	[tilespmem:s11], [sflag:s8] =	stream.indirect_vreg.gather @!p1 [hbm4b:s7+s4], $0x80, v6, vm1, $0xb8;
	[tilespmem:$0x1C100] =	vst v63  }
0xb0: {  	s13 =	sor.u32 @!p1 $0x2100, s9;
	s17 =	ssub.s32 $0x0, s2;
	s2 =	simm.s32 $0x7  }
0xb1: {  	[tilespmem:s13], [sflag:s8] =	stream.indirect_vreg.gather @!p1 [hbm4b:s1+s4], $0x80, v3, vm1, $0xb8;
	[tilespmem:$0x1C100] =	vst v63  }
0xb2: {  	p4 =	por @!p3 $0x1, $0x1;
	s14 =	sor.u32 @!p1 $0x2900, s9;
	s11 =	smul.u32 @!p0 $0x25, s2  }
0xb3: {  	[tilespmem:s14], [sflag:s8] =	stream.indirect_vreg.gather @!p1 [hbm4b:s5+s4], $0x80, v3, vm1, $0xb8;
	[tilespmem:$0x1C100] =	vst v63  }
0xb4: {  	p2 =	por @!p0 !p4, p2;
	s15 =	sor.u32 @!p1 $0x3100, s9;
	s11 =	sshrl.u32 @!p0 s11, $0x8  }
0xb5: {  	[tilespmem:s15], [sflag:s8] =	stream.indirect_vreg.gather @!p1 [hbm4b:s6+s4], $0x80, v3, vm1, $0xb8;
	[tilespmem:$0x1C100] =	vst v63  }
0xb6: {  	s18 =	sand.u32 $0xFF, s17;
	s9 =	sor.u32 @!p1 $0x3900, s9;
	s15 =	ssub.s32 @!p0 $0x7, s11  }
0xb7: {  	[tilespmem:s9], [sflag:s8] =	stream.indirect_vreg.gather @!p1 [hbm4b:s7+s4], $0x80, v3, vm1, $0xb8;
	[tilespmem:$0x1C100] =	vst v63  }
0xb8: {  	s19 =	sshll.u32 s18, $0xE;
	s20 =	sadd.s32 $0x1, s18;
	s4 =	sand.u32 @!p0 $0xFE, s15  }
0xb9: {  	s8 =	simm.s32 @!p3 $0xFFFFFFFF;
	p1 =	por !p2, p0;
	s4 =	sshrl.u32 @!p0 s4, $0x1  }
0xba: {  	s13 =	sor.u32 $0x8, s18;
	s8 =	simm.s32 @!p1 $0xFFFFFFF8;
	s9 =	sadd.s32 @!p0 s11, s4  }
0xbb: {  	v3 =	vlaneseq.u32 @!p0;
	_ =	swait.ge [sflag:s20], $0x4000;
	s4 =	sadd.s32 @!p3 $0x9, s8;
	s8 =	sand.u32 @!p0 $0xFC, s9  }
0xbc: {  	vm1 =	vmmov @!p0 $0xffff;
	v6 =	vshrl.u32 @!p0 v3, $0x3;
	s11 =	sor.u32 $0x100, s19;
	[sflag:s20] =	ssyncset.done $0x0;
	s8 =	sshrl.u32 @!p0 s8, $0x2  }
0xbd: {  	v5 =	vand.u32 @!p0 $0x7, v3;
	v4 =	vor.u32 @!p0 $0x8, v3;
	v3 =	vmul.u32 @!p0 $0x8, v6;
	[sflag:s20] =	ssyncadd.s32 $0xFFFFC000;
	s9 =	smov.u32 s10;
	s8 =	smul.u32 @!p0 $0x7, s8  }
.LBB2_2:
0xbe: {  	[hbm4b:s9+s3] =	stream.linear.scatter [tilespmem:s11], [sflag:s13], $0x4000, $0x38;
	[tilespmem:$0x1C100] =	vst v63  }
0xbf: {  	s15 =	smov.u32 s0;
	s9 =	smov.u32 s26;
	p2 =	por p0, p0  }
0xc0: {  	s0 =	sadd.s32 $0x1, s0;
	s11 =	smul.u32 $0x25, s28;
	_ =	swait.ge @!p3 [sflag:s4], $0x4000  }
0xc1: {  	p1 =	sne.s32 s0, $0x10;
	s2 =	ssub.s32 @!p2 s2, s8;
	[sflag:s4] =	ssyncset.done @!p3 $0x0  }
0xc2: {  	s12 =	sand.u32 @!p2 $0xFF, s2;
	s2 =	sshrl.u32 s11, $0x8;
	[sflag:s4] =	ssyncadd.s32 @!p3 $0xFFFFC000  }
0xc3: {  	s17 =	sshll.u32 @!p2 s12, $0xE;
	s8 =	ssub.s32 s28, s2;
	v6 =	vld @!p2 [tilespmem:s31+$0x0];
	s31 =	smov.u32 s30  }
0xc4: {  	s4 =	sor.u32 @!p2 $0x1900, s17;
	s16 =	sor.u32 @!p2 $0x2100, s17;
	s8 =	sand.u32 $0xFE, s8  }
0xc5: {  	s14 =	sor.u32 @!p2 $0x2900, s17;
	s13 =	sor.u32 @!p2 $0x3100, s17;
	s8 =	sshrl.u32 s8, $0x1  }
0xc6: {  	s11 =	sor.u32 @!p2 $0x3900, s17;
	s2 =	sadd.s32 s2, s8  }
0xc7: {  	s2 =	sand.u32 $0xFC, s2  }
0xc8: {  	s2 =	sshrl.u32 s2, $0x2;
	v7 =	vshll.u32 @!p2 v6, $0x3  }
0xc9: {  	v6 =	vand.u32 @!p2 $0x7, v6;
	s2 =	smul.u32 $0x7, s2;
	v7 =	vand.u32 @!p2 $0xFFFFFFC0, v7  }
0xca: {  	v6 =	vor.u32 @!p2 v6, v7  }
0xcb: {  	s2 =	ssub.s32 s28, s2;
	s28 =	smov.u32 s25;
	s25 =	smov.u32 s15;
	v5 =	vperm.xlane @!p2 v6, v5;
	v6 =	vperm.xlane @!p2 v6, v4  }
0xcc: {  	s15 =	sand.u32 $0xFF, s2  }
0xcd: {  	s8 =	sshll.u32 s15, $0xE;
	v7 =	vadd.s32 @!p2 v3, v5  }
0xce: {  	s29 =	sadd.s32 $0x1, s29;
	_ =	sdelay $0x1  }
0xcf: {  	s26 =	sadd.s32 $0x800, s26;
	s18 =	simm.s32 @!p2 $0x0;
	s2 =	sadd.s32 $0x6, s28  }
0xd0: {  	s12 =	sadd.s32 @!p2 $0x1, s12;
	s19 =	sor.u32 @!p2 $0x100, s17;
	p0 =	sgt.u32 s28, $0x9  }
0xd1: {  	[tilespmem:s19], [sflag:s12] =	stream.indirect_vreg.gather @!p2 [hbm4b:s1+s18], $0x80, v7, vm1, $0xb8;
	[tilespmem:$0x1C100] =	vst v63  }
0xd2: {  	s20 =	sor.u32 @!p2 $0x900, s17;
	v8 =	vlaneseq.u32 @!p0;
	s19 =	smul.u32 @!p0 $0x25, s2  }
0xd3: {  	v5 =	vand.u32 @!p0 $0x7, v8;
	v4 =	vor.u32 @!p0 $0x8, v8;
	[tilespmem:s20], [sflag:s12] =	stream.indirect_vreg.gather @!p2 [hbm4b:s5+s18], $0x80, v7, vm1, $0xb8;
	[tilespmem:$0x1C100] =	vst v63  }
0xd4: {  	s17 =	sor.u32 @!p2 $0x1100, s17;
	p4 =	seq.s32 @!p0 s28, $0x0;
	v8 =	vshrl.u32 @!p0 v8, $0x3;
	v6 =	vadd.s32 @!p2 v3, v6;
	s19 =	sshrl.u32 @!p0 s19, $0x8  }
0xd5: {  	p3 =	por p4, p0;
	v3 =	vmul.u32 @!p0 $0x8, v8;
	s20 =	ssub.s32 @!p0 s2, s19  }
0xd6: {  	[tilespmem:s17], [sflag:s12] =	stream.indirect_vreg.gather @!p2 [hbm4b:s6+s18], $0x80, v7, vm1, $0xb8;
	[tilespmem:$0x1C100] =	vst v63  }
0xd7: {  	p5 =	slt.u32 @!p3 s28, $0x8;
	s17 =	sand.u32 @!p0 $0xFE, s20  }
0xd8: {  	[tilespmem:s4], [sflag:s12] =	stream.indirect_vreg.gather @!p2 [hbm4b:s7+s18], $0x80, v7, vm1, $0xb8;
	[tilespmem:$0x1C100] =	vst v63  }
0xd9: {  	p4 =	por @!p0 !p5, p4;
	s4 =	sshrl.u32 @!p0 s17, $0x1  }
0xda: {  	[tilespmem:s16], [sflag:s12] =	stream.indirect_vreg.gather @!p2 [hbm4b:s1+s18], $0x80, v6, vm1, $0xb8;
	[tilespmem:$0x1C100] =	vst v63  }
0xdb: {  	p4 =	por !p4, p0;
	s17 =	sadd.s32 @!p0 s19, s4;
	s16 =	simm.s32 @!p3 $0xFFFFFFFF  }
0xdc: {  	[tilespmem:s14], [sflag:s12] =	stream.indirect_vreg.gather @!p2 [hbm4b:s5+s18], $0x80, v6, vm1, $0xb8;
	[tilespmem:$0x1C100] =	vst v63  }
0xdd: {  	s16 =	simm.s32 @!p4 $0xFFFFFFF8  }
0xde: {  	[tilespmem:s13], [sflag:s12] =	stream.indirect_vreg.gather @!p2 [hbm4b:s6+s18], $0x80, v6, vm1, $0xb8;
	[tilespmem:$0x1C100] =	vst v63  }
.Ltmp0:
0xdf: {  	s4 =	sadd.s32 @!p3 s16, s29;
	s13 =	sadd.s32 $0x1, s15;
	(pc) =	sbr.rel @p1 .LBB2_2-.Ltmp0, $4  }
0xe0: {  	[tilespmem:s11], [sflag:s12] =	stream.indirect_vreg.gather @!p2 [hbm4b:s7+s18], $0x80, v6, vm1, $0xb8;
	[tilespmem:$0x1C100] =	vst v63  }
0xe1: {  	s12 =	sand.u32 @!p0 $0xFC, s17;
	vm1 =	vmmov @!p0 $0xffff;
	s11 =	sor.u32 $0x100, s8;
	_ =	swait.ge [sflag:s13], $0x4000  }
0xe2: {  	s30 =	sadd.s32 $0x10, s30;
	s8 =	sshrl.u32 @!p0 s12, $0x2;
	[sflag:s13] =	ssyncset.done $0x0  }
0xe3: {  	s8 =	smul.u32 @!p0 $0x7, s8;
	[sflag:s13] =	ssyncadd.s32 $0xFFFFC000;
	s13 =	sor.u32 $0x8, s15  }
0xe4: {  	[hbm4b:s9+s3] =	stream.linear.scatter [tilespmem:s11], [sflag:s13], $0x4000, $0x38;
	[tilespmem:$0x1C100] =	vst v63  }
0xe5: {  	_ =	swait.ge @!p3 [sflag:s4], $0x4000  }
0xe6: {  	[sflag:s4] =	ssyncset.done @!p3 $0x0  }
0xe7: {  	p0 =	por p0, p0;
	[sflag:s4] =	ssyncadd.s32 @!p3 $0xFFFFC000  }
0xe8: {  	v6 =	vld @!p0 [tilespmem:s31+$0x0];
	_ =	sdelay $0x4  }
0xe9: {  	v7 =	vshll.u32 @!p0 v6, $0x3  }
0xea: {  	v6 =	vand.u32 @!p0 $0x7, v6;
	v7 =	vand.u32 @!p0 $0xFFFFFFC0, v7  }
0xeb: {  	v6 =	vor.u32 @!p0 v6, v7  }
0xec: {  	v5 =	vperm.xlane @!p0 v6, v5;
	_ =	sdelay $0x1  }
0xed: {  	v5 =	vadd.s32 @!p0 v3, v5  }
0xee: {  	s0 =	ssub.s32 @!p0 s2, s8  }
0xef: {  	s0 =	sand.u32 @!p0 $0xFF, s0  }
0xf0: {  	s2 =	sshll.u32 @!p0 s0, $0xE  }
0xf1: {  	s4 =	simm.s32 @!p0 $0x0;
	s0 =	sadd.s32 @!p0 $0x1, s0;
	s8 =	sor.u32 @!p0 $0x100, s2  }
0xf2: {  	[tilespmem:s8], [sflag:s0] =	stream.indirect_vreg.gather @!p0 [hbm4b:s1+s4], $0x80, v5, vm1, $0xb8;
	[tilespmem:$0x1C100] =	vst v63  }
0xf3: {  	v4 =	vperm.xlane @!p0 v6, v4;
	s8 =	sor.u32 @!p0 $0x900, s2  }
0xf4: {  	[tilespmem:s8], [sflag:s0] =	stream.indirect_vreg.gather @!p0 [hbm4b:s5+s4], $0x80, v5, vm1, $0xb8;
	[tilespmem:$0x1C100] =	vst v63  }
0xf5: {  	v3 =	vadd.s32 @!p0 v3, v4;
	s8 =	sor.u32 @!p0 $0x1100, s2  }
0xf6: {  	[tilespmem:s8], [sflag:s0] =	stream.indirect_vreg.gather @!p0 [hbm4b:s6+s4], $0x80, v5, vm1, $0xb8;
	[tilespmem:$0x1C100] =	vst v63  }
0xf7: {  	s8 =	sor.u32 @!p0 $0x1900, s2  }
0xf8: {  	[tilespmem:s8], [sflag:s0] =	stream.indirect_vreg.gather @!p0 [hbm4b:s7+s4], $0x80, v5, vm1, $0xb8;
	[tilespmem:$0x1C100] =	vst v63  }
0xf9: {  	s8 =	sor.u32 @!p0 $0x2100, s2  }
0xfa: {  	[tilespmem:s8], [sflag:s0] =	stream.indirect_vreg.gather @!p0 [hbm4b:s1+s4], $0x80, v3, vm1, $0xb8;
	[tilespmem:$0x1C100] =	vst v63  }
0xfb: {  	s11 =	smul.u32 $0x25, s28;
	s8 =	sor.u32 @!p0 $0x2900, s2  }
0xfc: {  	[tilespmem:s8], [sflag:s0] =	stream.indirect_vreg.gather @!p0 [hbm4b:s5+s4], $0x80, v3, vm1, $0xb8;
	[tilespmem:$0x1C100] =	vst v63  }
0xfd: {  	s12 =	sshrl.u32 s11, $0x8;
	s8 =	sor.u32 @!p0 $0x3100, s2  }
0xfe: {  	[tilespmem:s8], [sflag:s0] =	stream.indirect_vreg.gather @!p0 [hbm4b:s6+s4], $0x80, v3, vm1, $0xb8;
	[tilespmem:$0x1C100] =	vst v63  }
0xff: {  	s13 =	ssub.s32 s28, s12;
	s2 =	sor.u32 @!p0 $0x3900, s2  }
0x100: {  	[tilespmem:s2], [sflag:s0] =	stream.indirect_vreg.gather @!p0 [hbm4b:s7+s4], $0x80, v3, vm1, $0xb8;
	[tilespmem:$0x1C100] =	vst v63  }
0x101: {  	s2 =	sand.u32 $0xFE, s13  }
0x102: {  	s2 =	sshrl.u32 s2, $0x1  }
0x103: {  	s0 =	sadd.s32 s12, s2  }
0x104: {  	s0 =	sand.u32 $0xFC, s0  }
0x105: {  	p1 =	sgt.u32 s25, $0x9;
	s0 =	sshrl.u32 s0, $0x2  }
0x106: {  	p0 =	seq.s32 @!p1 s25, $0x0;
	s0 =	smul.u32 $0x7, s0  }
0x107: {  	p2 =	por p0, p1  }
0x108: {  	p3 =	slt.u32 @!p2 s25, $0x8;
	s0 =	ssub.s32 s28, s0  }
0x109: {  	p0 =	por @!p1 !p3, p0;
	s0 =	sand.u32 $0xFF, s0  }
0x10a: {  	s2 =	simm.s32 @!p2 $0xFFFFFFFF;
	p0 =	por !p0, p1;
	s14 =	sadd.s32 $0x1, s0  }
0x10b: {  	s8 =	sadd.s32 $0x1, s29;
	s2 =	simm.s32 @!p0 $0xFFFFFFF8;
	_ =	swait.ge [sflag:s14], $0x4000  }
0x10c: {  	s2 =	sadd.s32 @!p2 s2, s8;
	s15 =	sshll.u32 s0, $0xE;
	[sflag:s14] =	ssyncset.done $0x0  }
0x10d: {  	s0 =	sor.u32 $0x8, s0;
	s8 =	sor.u32 $0x100, s15;
	[sflag:s14] =	ssyncadd.s32 $0xFFFFC000  }
0x10e: {  	[hbm4b:s26+s3] =	stream.linear.scatter [tilespmem:s8], [sflag:s0], $0x4000, $0x38;
	[tilespmem:$0x1C100] =	vst v63  }
0x10f: {  	_ =	swait.ge @!p2 [sflag:s2], $0x4000  }
0x110: {  	[sflag:s2] =	ssyncset.done @!p2 $0x0  }
0x111: {  	p0 =	por p1, p1;
	s0 =	sadd.s32 $0x6, s25;
	[sflag:s2] =	ssyncadd.s32 @!p2 $0xFFFFC000  }
0x112: {  	s2 =	smul.u32 @!p1 $0x25, s0;
	v3 =	vld @!p0 [tilespmem:s30+$0x0];
	_ =	sdelay $0x1  }
0x113: {  	s2 =	sshrl.u32 @!p1 s2, $0x8  }
0x114: {  	s4 =	ssub.s32 @!p1 s0, s2  }
0x115: {  	s4 =	sand.u32 @!p1 $0xFE, s4  }
0x116: {  	s4 =	sshrl.u32 @!p1 s4, $0x1;
	v4 =	vshll.u32 @!p0 v3, $0x3  }
0x117: {  	v5 =	vlaneseq.u32 @!p1;
	s2 =	sadd.s32 @!p1 s2, s4;
	v3 =	vand.u32 @!p0 $0x7, v3;
	v4 =	vand.u32 @!p0 $0xFFFFFFC0, v4  }
0x118: {  	v6 =	vand.u32 @!p1 $0x7, v5;
	v7 =	vshrl.u32 @!p1 v5, $0x3;
	s2 =	sand.u32 @!p1 $0xFC, s2;
	v3 =	vor.u32 @!p0 v3, v4  }
0x119: {  	v4 =	vmul.u32 @!p1 $0x8, v7;
	s2 =	sshrl.u32 @!p1 s2, $0x2;
	v6 =	vperm.xlane @!p0 v3, v6  }
0x11a: {  	s2 =	smul.u32 @!p1 $0x7, s2  }
0x11b: {  	v6 =	vadd.s32 @!p0 v4, v6  }
0x11c: {  	s0 =	ssub.s32 @!p0 s0, s2  }
0x11d: {  	s0 =	sand.u32 @!p0 $0xFF, s0  }
0x11e: {  	s2 =	sshll.u32 @!p0 s0, $0xE  }
0x11f: {  	vm1 =	vmmov @!p1 $0xffff;
	s4 =	simm.s32 @!p0 $0x0;
	s0 =	sadd.s32 @!p0 $0x1, s0;
	s8 =	sor.u32 @!p0 $0x100, s2  }
0x120: {  	v5 =	vor.u32 @!p1 $0x8, v5;
	[tilespmem:s8], [sflag:s0] =	stream.indirect_vreg.gather @!p0 [hbm4b:s1+s4], $0x80, v6, vm1, $0xb8;
	[tilespmem:$0x1C100] =	vst v63  }
0x121: {  	v3 =	vperm.xlane @!p0 v3, v5;
	s8 =	sor.u32 @!p0 $0x900, s2  }
0x122: {  	[tilespmem:s8], [sflag:s0] =	stream.indirect_vreg.gather @!p0 [hbm4b:s5+s4], $0x80, v6, vm1, $0xb8;
	[tilespmem:$0x1C100] =	vst v63  }
0x123: {  	v3 =	vadd.s32 @!p0 v4, v3;
	s8 =	sor.u32 @!p0 $0x1100, s2  }
0x124: {  	[tilespmem:s8], [sflag:s0] =	stream.indirect_vreg.gather @!p0 [hbm4b:s6+s4], $0x80, v6, vm1, $0xb8;
	[tilespmem:$0x1C100] =	vst v63  }
0x125: {  	s16 =	smul.u32 $0x25, s25;
	s8 =	sor.u32 @!p0 $0x1900, s2  }
0x126: {  	[tilespmem:s8], [sflag:s0] =	stream.indirect_vreg.gather @!p0 [hbm4b:s7+s4], $0x80, v6, vm1, $0xb8;
	[tilespmem:$0x1C100] =	vst v63  }
0x127: {  	s9 =	sor.u32 @!p0 $0x2100, s2;
	s8 =	sshrl.u32 s16, $0x8  }
0x128: {  	[tilespmem:s9], [sflag:s0] =	stream.indirect_vreg.gather @!p0 [hbm4b:s1+s4], $0x80, v3, vm1, $0xb8;
	[tilespmem:$0x1C100] =	vst v63  }
0x129: {  	s17 =	ssub.s32 s25, s8;
	s9 =	sor.u32 @!p0 $0x2900, s2  }
0x12a: {  	[tilespmem:s9], [sflag:s0] =	stream.indirect_vreg.gather @!p0 [hbm4b:s5+s4], $0x80, v3, vm1, $0xb8;
	[tilespmem:$0x1C100] =	vst v63  }
0x12b: {  	s9 =	sand.u32 $0xFE, s17  }
0x12c: {  	s9 =	sshrl.u32 s9, $0x1  }
0x12d: {  	s8 =	sadd.s32 s8, s9;
	s9 =	sor.u32 @!p0 $0x3100, s2  }
0x12e: {  	[tilespmem:s9], [sflag:s0] =	stream.indirect_vreg.gather @!p0 [hbm4b:s6+s4], $0x80, v3, vm1, $0xb8;
	[tilespmem:$0x1C100] =	vst v63  }
0x12f: {  	s8 =	sand.u32 $0xFC, s8  }
0x130: {  	s8 =	sshrl.u32 s8, $0x2  }
0x131: {  	s2 =	sor.u32 @!p0 $0x3900, s2;
	s8 =	smul.u32 $0x7, s8  }
0x132: {  	[tilespmem:s2], [sflag:s0] =	stream.indirect_vreg.gather @!p0 [hbm4b:s7+s4], $0x80, v3, vm1, $0xb8;
	[tilespmem:$0x1C100] =	vst v63  }
0x133: {  	s18 =	ssub.s32 s25, s8  }
0x134: {  	s0 =	sand.u32 $0xFF, s18  }
0x135: {  	s19 =	sadd.s32 $0x1, s0  }
0x136: {  	s25 =	sadd.s32 $0x800, s26;
	_ =	swait.ge [sflag:s19], $0x4000  }
0x137: {  	s26 =	simm.s32 $0xA;
	s20 =	sshll.u32 s0, $0xE;
	[sflag:s19] =	ssyncset.done $0x0  }
0x138: {  	s0 =	sor.u32 $0x8, s0;
	s2 =	sor.u32 $0x100, s20;
	[sflag:s19] =	ssyncadd.s32 $0xFFFFC000  }
0x139: {  	[hbm4b:s25+s3] =	stream.linear.scatter [tilespmem:s2], [sflag:s0], $0x4000, $0x38;
	[tilespmem:$0x1C100] =	vst v63  }
0x13a: {  	_ =	swait.ge [sflag:s26], $0x4000  }
0x13b: {  	[sflag:s26] =	ssyncset.done $0x0  }
0x13c: {  	s28 =	simm.s32 $0xB;
	[sflag:s26] =	ssyncadd.s32 $0xFFFFC000  }
0x13d: {  	_ =	swait.ge [sflag:s28], $0x4000  }
0x13e: {  	[sflag:s28] =	ssyncset.done $0x0  }
0x13f: {  	s29 =	simm.s32 $0xC;
	[sflag:s28] =	ssyncadd.s32 $0xFFFFC000  }
0x140: {  	_ =	swait.ge [sflag:s29], $0x4000  }
0x141: {  	[sflag:s29] =	ssyncset.done $0x0  }
0x142: {  	s30 =	simm.s32 $0xD;
	[sflag:s29] =	ssyncadd.s32 $0xFFFFC000  }
0x143: {  	_ =	swait.ge [sflag:s30], $0x4000  }
0x144: {  	[sflag:s30] =	ssyncset.done $0x0  }
0x145: {  	[sflag:s30] =	ssyncadd.s32 $0xFFFFC000  }
0x146: {  	_ =	swait.ge [sflag:s21], $0x4000  }
0x147: {  	[sflag:s21] =	ssyncset.done $0x0  }
0x148: {  	[sflag:s21] =	ssyncadd.s32 $0xFFFFC000  }
0x149: {  	_ =	swait.ge [sflag:s22], $0x4000  }
0x14a: {  	[sflag:s22] =	ssyncset.done $0x0  }
0x14b: {  	[sflag:s22] =	ssyncadd.s32 $0xFFFFC000  }
0x14c: {  	_ =	swait.ge [sflag:s23], $0x4000  }
0x14d: {  	s24 =	sadd.s32 $0x1, s24;
	s31 =	rddreg [dreg:$0x5]  }
0x14e: {  	p0 =	sne.s32 s24, s31  }
.Ltmp1:
0x14f: {  	_ = 	snop;
	(pc) =	sbr.rel @p0 .LBB2_1-.Ltmp1, $3  }
0x150: {  	_ =	sdelay $0x1  }
0x151: {  	[sflag:s23] =	ssyncset.done $0x0  }
0x152: {  	[sflag:s23] =	ssyncadd.s32 $0xFFFFC000  }
0x153: {  	_ =	sfence.sel $0x180000  }
0x154: {  	[bflag:$0x0] =	sbarrier.arrive $0xFFFF  }
0x155: {  	_ =	strace $0x90000047  }
0x156: {  	s0 =	stileid.u32;
	[bflag:$0x2] =	sbarrier.arrive $0xFFFF  }
0x157: {  	p0 =	sne.s32 s0, $0x0;
	s0 =	rddreg [dreg:$0x3]  }
0x158: {  	s0 =	sadd.s32 @!p0 $0x100000, s0  }
0x159: {  	[sflag:s0] =	ssyncadd.tile.s32 @!p0 $0x1;
	_ =	shalt  }
.Lfunc_end2:
_tile_overlayer_lowered:
.L_overlay_start_2:
0x15a: {  	(tag) =	ssettag $0x2  }
0x15b: {  	s0 =	rddreg [dreg:$0x0];
	s2 =	stileid.u32  }
0x15c: {  	s1 =	rddreg [dreg:$0x1];
	p0 =	sne.s32 s2, $0x0  }
0x15d: {  	s3 =	rddreg [dreg:$0x2];
	[bflag:$0x3] =	sbarrier.arrive $0xFFFF;
	s2 =	simm.s32 @!p0 $0x1C0F  }
0x15e: {  	[timem:s3], [sflag:s2] =	dma.local @!p0 [hbm:s0], s1  }
0x15f: {  	s0 =	simm.s32 @!p0 $0xF  }
0x160: {  	_ =	swait.ge @!p0 [sflag:s0], s1  }
0x161: {  	s1 =	ssub.s32 @!p0 $0x0, s1;
	[sflag:s0] =	ssyncset.done @!p0 $0x0  }
0x162: {  	[sflag:s0] =	ssyncadd.s32 @!p0 s1  }
0x163: {  	[bflag:$0x3] =	sbarrier.arrive $0xFFFF  }
0x164: {  	_ =	shalt  }

</sc_bundles>
